<compile_context>
chip_gen: v7x
topology: tpu7x:2x2x1
jax: 0.10.2.dev20260603
libtpu: 0.0.44.dev20260713+nightly
codegen_flags: <defaults>
</compile_context>

<pallas_src>
import functools

import jax
import jax.numpy as jnp
from jax import lax
from jax.experimental import pallas as pl
from jax.experimental.pallas import tpu as pltpu
from jax.experimental.pallas import tpu_sc as plsc

_B, _T = 2, 12
_N_PATCH, _N_NODES, _E = 2000, 10000, 160000
_F_P, _F_N, _HORIZON = 16, 16, 12
_IN_DIM = _F_P * _T + _F_N * _T
_G = 128
_NG = _IN_DIM // _G

_NC, _NS = 2, 16
_CHUNK = 128
_STEPS = -(-_E // (_NS * _CHUNK))
_EPAD = _NS * _STEPS * _CHUNK
_NROWS = 10240
_RPT = _NROWS // _NS
_SPLIT = (_STEPS + 1) // 2

_TN = 400
_NT = _N_NODES // _TN


def _sc_segment_sum(p2g, sb_g, sm3):
    mesh = plsc.VectorSubcoreMesh(
        core_axis_name="c", subcore_axis_name="s",
        num_cores=_NC, num_subcores=_NS,
    )

    @functools.partial(
        pl.kernel,
        out_type=[
            jax.ShapeDtypeStruct((_NROWS, _IN_DIM), jnp.float32),
            jax.ShapeDtypeStruct((_NROWS, _G), jnp.float32),
            jax.ShapeDtypeStruct((_NROWS,), jnp.float32),
        ],
        mesh=mesh,
        scratch_types=[
            pltpu.VMEM((_STEPS, _CHUNK), jnp.int32),
            pltpu.VMEM((_STEPS, _CHUNK), jnp.int32),
            pltpu.VMEM((_CHUNK, _G), jnp.float32),
            pltpu.VMEM((_CHUNK,), jnp.float32),
            pltpu.VMEM_SHARED((_NROWS, _G), jnp.float32),
            pltpu.VMEM_SHARED((_NROWS,), jnp.float32),
            pltpu.SemaphoreType.DMA,
        ],
        compiler_params=pltpu.CompilerParams(use_tc_tiling_on_sc=False),
    )
    def k(p2g_h, sbg_h, sm3_h, sums_h, part2_h, counts_h,
          idxb, idxm, g, ones_v, acc, cnt, sem):
        c = lax.axis_index("c")
        s = lax.axis_index("s")
        r0 = s * _RPT

        def zrow(r, carry):
            for kk in range(_G // 16):
                g[r, pl.ds(kk * 16, 16)] = jnp.zeros((16,), jnp.float32)
            return carry
        lax.fori_loop(0, _CHUNK, zrow, 0)
        for kk in range(_CHUNK // 16):
            ones_v[pl.ds(kk * 16, 16)] = jnp.ones((16,), jnp.float32)

        for i in range(_RPT // _CHUNK):
            pltpu.sync_copy(g, acc.at[pl.ds(r0 + i * _CHUNK, _CHUNK)])
            pltpu.sync_copy(g.at[0], cnt.at[pl.ds(r0 + i * _CHUNK, _CHUNK)])

        pltpu.sync_copy(sm3_h.at[s], idxm)
        plsc.subcore_barrier()

        def accumulate(j, carry):
            pltpu.async_copy(p2g_h.at[idxb.at[j]], g, sem).wait()
            pltpu.sync_copy(g, acc.at[idxm.at[j]], add=True)
            return carry

        pltpu.sync_copy(sbg_h.at[c, s], idxb)
        lax.fori_loop(0, _STEPS, accumulate, 0)

        def count_step(j, carry):
            pltpu.sync_copy(ones_v, cnt.at[idxm.at[j]], add=True)
            return carry
        lax.fori_loop(0, _STEPS, count_step, 0)

        plsc.subcore_barrier()
        pltpu.sync_copy(
            acc.at[pl.ds(r0, _RPT)],
            sums_h.at[pl.ds(r0, _RPT), pl.ds(c * _G, _G)],
        )

        @pl.when(c == 0)
        def _():
            pltpu.sync_copy(cnt.at[pl.ds(r0, _RPT)], counts_h.at[pl.ds(r0, _RPT)])

        plsc.subcore_barrier()

        lax.fori_loop(0, _CHUNK, zrow, 0)
        for i in range(_RPT // _CHUNK):
            pltpu.sync_copy(g, acc.at[pl.ds(r0 + i * _CHUNK, _CHUNK)])
        pltpu.sync_copy(sbg_h.at[2, s], idxb)
        plsc.subcore_barrier()

        lo = jnp.where(c == 0, 0, _SPLIT)
        hi = jnp.where(c == 0, _SPLIT, _STEPS)
        lax.fori_loop(lo, hi, accumulate, 0)

        plsc.subcore_barrier()

        @pl.when(c == 0)
        def _():
            pltpu.sync_copy(
                acc.at[pl.ds(r0, _RPT)],
                sums_h.at[pl.ds(r0, _RPT), pl.ds(2 * _G, _G)],
            )

        @pl.when(c == 1)
        def _():
            pltpu.sync_copy(acc.at[pl.ds(r0, _RPT)], part2_h.at[pl.ds(r0, _RPT)])

    return k(p2g, sb_g, sm3)


def _mlp_block(sums_ref, part2_ref, cnt_ref, nodes_ref,
               w1_ref, b1_ref, w2_ref, b2_ref, out_ref):
    b = pl.program_id(0)
    full = jnp.concatenate(
        [sums_ref[:, : 2 * _G], sums_ref[:, 2 * _G:] + part2_ref[...]], axis=1)
    inv = 1.0 / jnp.maximum(cnt_ref[...], 1.0)
    p = jnp.where(b == 0, full[:, :_IN_DIM // 2], full[:, _IN_DIM // 2:]) * inv
    x = jnp.concatenate([nodes_ref[0], p], axis=1)
    h = jnp.maximum(x @ w1_ref[...] + b1_ref[...], 0.0)
    out_ref[0] = h @ w2_ref[...] + b2_ref[...]


def _tc_mlp(sums, part2, counts, n2, W1, b1, W2, b2):
    return pl.pallas_call(
        _mlp_block,
        grid=(_B, _NT),
        in_specs=[
            pl.BlockSpec((_TN, _IN_DIM), lambda b, i: (i, 0)),
            pl.BlockSpec((_TN, _G), lambda b, i: (i, 0)),
            pl.BlockSpec((_TN, 1), lambda b, i: (i, 0)),
            pl.BlockSpec((1, _TN, _IN_DIM // 2), lambda b, i: (b, i, 0)),
            pl.BlockSpec((_IN_DIM, _IN_DIM), lambda b, i: (0, 0)),
            pl.BlockSpec((1, _IN_DIM), lambda b, i: (0, 0)),
            pl.BlockSpec((_IN_DIM, _HORIZON), lambda b, i: (0, 0)),
            pl.BlockSpec((1, _HORIZON), lambda b, i: (0, 0)),
        ],
        out_specs=pl.BlockSpec((1, _TN, _HORIZON), lambda b, i: (b, i, 0)),
        out_shape=jax.ShapeDtypeStruct((_B, _N_NODES, _HORIZON), jnp.float32),
    )(sums, part2, counts, n2, W1, b1, W2, b2)


def kernel(patch_x, nodes_x, W1, b1, W2, b2, subgraphs_batch, subgraphs_nodes_mapper):
    p2 = jnp.transpose(patch_x, (2, 0, 1, 3)).reshape(_N_PATCH, _IN_DIM)
    p2g = jnp.concatenate([p2[:, i * _G:(i + 1) * _G] for i in range(_NG)],
                          axis=0)
    n2 = jnp.transpose(nodes_x, (0, 2, 1, 3)).reshape(_B, _N_NODES, _T * _F_N)

    sb = jnp.pad(subgraphs_batch, (0, _EPAD - _E))
    sm = jnp.pad(subgraphs_nodes_mapper, (0, _EPAD - _E),
                 constant_values=_N_NODES)
    sb_g = jnp.stack([sb + i * _N_PATCH for i in range(_NG)]).reshape(
        _NG, _NS, _STEPS, _CHUNK)
    sm3 = sm.reshape(_NS, _STEPS, _CHUNK)

    sums, part2, counts = _sc_segment_sum(p2g, sb_g, sm3)

    out = _tc_mlp(
        sums,
        part2,
        counts.reshape(_NROWS, 1),
        n2,
        W1,
        b1.reshape(1, _IN_DIM),
        W2,
        b2.reshape(1, _HORIZON),
    )
    return out

# --- scband reference (transcript-rebuilt; emitter-appended) ---
"""Pipeline reference for scband-single-node-readout-30348238914067 (READ-ONLY COPY).

The authoritative reference and input builder live on the scoring server;
editing this copy changes nothing except your own understanding.
"""

import jax, jax.numpy as jnp
import numpy as np

B, T = 2, 12
N_PATCH, N_NODES, E = 2000, 10000, 160000
F_P, F_N, HORIZON = 16, 16, 12
IN_DIM = F_P * T + F_N * T  # 384
HID = IN_DIM


def setup_inputs(seed: int = 0) -> dict:
    key = jax.random.key(seed)
    ks = jax.random.split(key, 8)
    patch_x = jax.random.normal(ks[0], (B, T, N_PATCH, F_P), dtype=jnp.float32)
    nodes_x = jax.random.normal(ks[1], (B, T, N_NODES, F_N), dtype=jnp.float32)
    subgraphs_batch = jax.random.randint(ks[2], (E,), 0, N_PATCH, dtype=jnp.int32)
    subgraphs_nodes_mapper = jnp.sort(jax.random.randint(ks[3], (E,), 0, N_NODES, dtype=jnp.int32))
    W1 = 0.02 * jax.random.normal(ks[4], (IN_DIM, HID), dtype=jnp.float32)
    b1 = jnp.zeros((HID,), dtype=jnp.float32)
    W2 = 0.02 * jax.random.normal(ks[5], (HID, HORIZON), dtype=jnp.float32)
    b2 = jnp.zeros((HORIZON,), dtype=jnp.float32)
    return {
        "patch_x": patch_x,
        "nodes_x": nodes_x,
        "W1": W1,
        "b1": b1,
        "W2": W2,
        "b2": b2,
        "subgraphs_batch": subgraphs_batch,
        "subgraphs_nodes_mapper": subgraphs_nodes_mapper,
    }


def reference(patch_x, nodes_x, W1, b1, W2, b2, subgraphs_batch, subgraphs_nodes_mapper):
    # gather patch features per membership: (B, T, E, F_P)
    gathered = jnp.take(patch_x, subgraphs_batch, axis=2)
    # scatter-mean into nodes along dim=-2
    sums = jnp.zeros((B, T, N_NODES, F_P), dtype=patch_x.dtype)
    sums = sums.at[:, :, subgraphs_nodes_mapper, :].add(gathered)
    counts = jnp.zeros((N_NODES,), dtype=patch_x.dtype).at[subgraphs_nodes_mapper].add(1.0)
    patch_x_nodes = sums / jnp.maximum(counts, 1.0)[None, None, :, None]
    # rearrange 'B t n f -> B n (t f)'
    p = jnp.transpose(patch_x_nodes, (0, 2, 1, 3)).reshape(B, N_NODES, T * F_P)
    n = jnp.transpose(nodes_x, (0, 2, 1, 3)).reshape(B, N_NODES, T * F_N)
    mlp_in = jnp.concatenate([n, p], axis=-1)
    # 2-layer MLP, no final activation
    h = jax.nn.relu(mlp_in @ W1 + b1)
    out = h @ W2 + b2
    return out

if __name__ == "__main__":
    import jax
    _d = setup_inputs()
    print(jax.jit(kernel)(*tuple(_d.values())))

</pallas_src>

<mosaic_0001>
#map = affine_map<(d0, d1) -> (0, 0)>
#map1 = affine_map<(d0, d1) -> (0, 0, 0, 0)>
#map2 = affine_map<(d0, d1) -> (0, 0, 0)>
#map3 = affine_map<(d0, d1) -> (0)>
module attributes {stable_mosaic.version = 14 : i64} {
  func.func @k(%arg0: i32, %arg1: i32, %arg2: memref<6000x128xf32, #tpu.memory_space<hbm>>, %arg3: memref<3x16x79x128xi32, #tpu.memory_space<hbm>>, %arg4: memref<16x79x128xi32, #tpu.memory_space<hbm>>, %arg5: memref<10240x384xf32, #tpu.memory_space<hbm>>, %arg6: memref<10240x128xf32, #tpu.memory_space<hbm>>, %arg7: memref<10240xf32, #tpu.memory_space<hbm>>, %arg8: memref<79x128xi32, #tpu.memory_space<vmem>>, %arg9: memref<79x128xi32, #tpu.memory_space<vmem>>, %arg10: memref<128x128xf32, #tpu.memory_space<vmem>>, %arg11: memref<128xf32, #tpu.memory_space<vmem>>, %arg12: memref<10240x128xf32, #tpu.memory_space<vmem_shared>>, %arg13: memref<10240xf32, #tpu.memory_space<vmem_shared>>, %arg14: memref<!tpu.dma_semaphore, #tpu.memory_space<semaphore_mem>>) attributes {dimension_semantics = [#tpu.dimension_semantics<core_parallel>, #tpu.dimension_semantics<subcore_parallel>], iteration_bounds = array<i64: 2, 16>, scalar_prefetch = 0 : i64, scratch_operands = 7 : i64, tpu.core_type = #tpu.core_type<sc_vector_subcore>, window_params = [{transform_indices = #map}, {transform_indices = #map1}, {transform_indices = #map2}, {transform_indices = #map}, {transform_indices = #map}, {transform_indices = #map3}]} {
    %mul3A = arith.constant 640 : i32
    %mul3A_0 = arith.muli %arg1, %mul3A : i32
    %scan3A = arith.constant 0 : i32
    %scan3A_1 = arith.constant 0 : i32
    %scan3A_2 = arith.constant 128 : i32
    %scan3A_3 = arith.addi %scan3A_1, %scan3A_2 : i32
    %scan3A_4 = arith.constant 1 : i32
    scf.for %scan3A_138 = %scan3A_1 to %scan3A_3 step %scan3A_4  : i32 {
      %broadcast_in_dim3A_139 = arith.constant 0.000000e+00 : f32
      %broadcast_in_dim3A_140 = vector.broadcast %broadcast_in_dim3A_139 : f32 to vector<16xf32>
      %swap3A_141 = arith.index_cast %scan3A_138 : i32 to index
      %swap3A_142 = arith.constant 0 : index
      %swap3A_143 = tpu.vector_load %arg10[%swap3A_141, %swap3A_142] {strides = array<i32>} : memref<128x128xf32, #tpu.memory_space<vmem>>, vector<1x16xf32>,
      %swap3A_144 = vector.shape_cast %swap3A_143 : vector<1x16xf32> to vector<16xf32>
      %swap3A_145 = vector.shape_cast %broadcast_in_dim3A_140 : vector<16xf32> to vector<1x16xf32>
      tpu.vector_store %arg10[%swap3A_141, %swap3A_142], %swap3A_145 {strides = array<i32>} : memref<128x128xf32, #tpu.memory_space<vmem>>, vector<1x16xf32>,
      %broadcast_in_dim3A_146 = arith.constant 0.000000e+00 : f32
      %broadcast_in_dim3A_147 = vector.broadcast %broadcast_in_dim3A_146 : f32 to vector<16xf32>
      %swap3A_148 = arith.index_cast %scan3A_138 : i32 to index
      %swap3A_149 = arith.constant 16 : index
      %swap3A_150 = tpu.vector_load %arg10[%swap3A_148, %swap3A_149] {strides = array<i32>} : memref<128x128xf32, #tpu.memory_space<vmem>>, vector<1x16xf32>,
      %swap3A_151 = vector.shape_cast %swap3A_150 : vector<1x16xf32> to vector<16xf32>
      %swap3A_152 = vector.shape_cast %broadcast_in_dim3A_147 : vector<16xf32> to vector<1x16xf32>
      tpu.vector_store %arg10[%swap3A_148, %swap3A_149], %swap3A_152 {strides = array<i32>} : memref<128x128xf32, #tpu.memory_space<vmem>>, vector<1x16xf32>,
      %broadcast_in_dim3A_153 = arith.constant 0.000000e+00 : f32
      %broadcast_in_dim3A_154 = vector.broadcast %broadcast_in_dim3A_153 : f32 to vector<16xf32>
      %swap3A_155 = arith.index_cast %scan3A_138 : i32 to index
      %swap3A_156 = arith.constant 32 : index
      %swap3A_157 = tpu.vector_load %arg10[%swap3A_155, %swap3A_156] {strides = array<i32>} : memref<128x128xf32, #tpu.memory_space<vmem>>, vector<1x16xf32>,
      %swap3A_158 = vector.shape_cast %swap3A_157 : vector<1x16xf32> to vector<16xf32>
      %swap3A_159 = vector.shape_cast %broadcast_in_dim3A_154 : vector<16xf32> to vector<1x16xf32>
      tpu.vector_store %arg10[%swap3A_155, %swap3A_156], %swap3A_159 {strides = array<i32>} : memref<128x128xf32, #tpu.memory_space<vmem>>, vector<1x16xf32>,
      %broadcast_in_dim3A_160 = arith.constant 0.000000e+00 : f32
      %broadcast_in_dim3A_161 = vector.broadcast %broadcast_in_dim3A_160 : f32 to vector<16xf32>
      %swap3A_162 = arith.index_cast %scan3A_138 : i32 to index
      %swap3A_163 = arith.constant 48 : index
      %swap3A_164 = tpu.vector_load %arg10[%swap3A_162, %swap3A_163] {strides = array<i32>} : memref<128x128xf32, #tpu.memory_space<vmem>>, vector<1x16xf32>,
      %swap3A_165 = vector.shape_cast %swap3A_164 : vector<1x16xf32> to vector<16xf32>
      %swap3A_166 = vector.shape_cast %broadcast_in_dim3A_161 : vector<16xf32> to vector<1x16xf32>
      tpu.vector_store %arg10[%swap3A_162, %swap3A_163], %swap3A_166 {strides = array<i32>} : memref<128x128xf32, #tpu.memory_space<vmem>>, vector<1x16xf32>,
      %broadcast_in_dim3A_167 = arith.constant 0.000000e+00 : f32
      %broadcast_in_dim3A_168 = vector.broadcast %broadcast_in_dim3A_167 : f32 to vector<16xf32>
      %swap3A_169 = arith.index_cast %scan3A_138 : i32 to index
      %swap3A_170 = arith.constant 64 : index
      %swap3A_171 = tpu.vector_load %arg10[%swap3A_169, %swap3A_170] {strides = array<i32>} : memref<128x128xf32, #tpu.memory_space<vmem>>, vector<1x16xf32>,
      %swap3A_172 = vector.shape_cast %swap3A_171 : vector<1x16xf32> to vector<16xf32>
      %swap3A_173 = vector.shape_cast %broadcast_in_dim3A_168 : vector<16xf32> to vector<1x16xf32>
      tpu.vector_store %arg10[%swap3A_169, %swap3A_170], %swap3A_173 {strides = array<i32>} : memref<128x128xf32, #tpu.memory_space<vmem>>, vector<1x16xf32>,
      %broadcast_in_dim3A_174 = arith.constant 0.000000e+00 : f32
      %broadcast_in_dim3A_175 = vector.broadcast %broadcast_in_dim3A_174 : f32 to vector<16xf32>
      %swap3A_176 = arith.index_cast %scan3A_138 : i32 to index
      %swap3A_177 = arith.constant 80 : index
      %swap3A_178 = tpu.vector_load %arg10[%swap3A_176, %swap3A_177] {strides = array<i32>} : memref<128x128xf32, #tpu.memory_space<vmem>>, vector<1x16xf32>,
      %swap3A_179 = vector.shape_cast %swap3A_178 : vector<1x16xf32> to vector<16xf32>
      %swap3A_180 = vector.shape_cast %broadcast_in_dim3A_175 : vector<16xf32> to vector<1x16xf32>
      tpu.vector_store %arg10[%swap3A_176, %swap3A_177], %swap3A_180 {strides = array<i32>} : memref<128x128xf32, #tpu.memory_space<vmem>>, vector<1x16xf32>,
      %broadcast_in_dim3A_181 = arith.constant 0.000000e+00 : f32
      %broadcast_in_dim3A_182 = vector.broadcast %broadcast_in_dim3A_181 : f32 to vector<16xf32>
      %swap3A_183 = arith.index_cast %scan3A_138 : i32 to index
      %swap3A_184 = arith.constant 96 : index
      %swap3A_185 = tpu.vector_load %arg10[%swap3A_183, %swap3A_184] {strides = array<i32>} : memref<128x128xf32, #tpu.memory_space<vmem>>, vector<1x16xf32>,
      %swap3A_186 = vector.shape_cast %swap3A_185 : vector<1x16xf32> to vector<16xf32>
      %swap3A_187 = vector.shape_cast %broadcast_in_dim3A_182 : vector<16xf32> to vector<1x16xf32>
      tpu.vector_store %arg10[%swap3A_183, %swap3A_184], %swap3A_187 {strides = array<i32>} : memref<128x128xf32, #tpu.memory_space<vmem>>, vector<1x16xf32>,
      %broadcast_in_dim3A_188 = arith.constant 0.000000e+00 : f32
      %broadcast_in_dim3A_189 = vector.broadcast %broadcast_in_dim3A_188 : f32 to vector<16xf32>
      %swap3A_190 = arith.index_cast %scan3A_138 : i32 to index
      %swap3A_191 = arith.constant 112 : index
      %swap3A_192 = tpu.vector_load %arg10[%swap3A_190, %swap3A_191] {strides = array<i32>} : memref<128x128xf32, #tpu.memory_space<vmem>>, vector<1x16xf32>,
      %swap3A_193 = vector.shape_cast %swap3A_192 : vector<1x16xf32> to vector<16xf32>
      %swap3A_194 = vector.shape_cast %broadcast_in_dim3A_189 : vector<16xf32> to vector<1x16xf32>
      tpu.vector_store %arg10[%swap3A_190, %swap3A_191], %swap3A_194 {strides = array<i32>} : memref<128x128xf32, #tpu.memory_space<vmem>>, vector<1x16xf32>,
    }
    %scan3A_5 = arith.constant 128 : i32
    %broadcast_in_dim3A = arith.constant 1.000000e+00 : f32
    %broadcast_in_dim3A_6 = vector.broadcast %broadcast_in_dim3A : f32 to vector<16xf32>
    %swap3A = arith.constant 0 : index
    %swap3A_7 = tpu.vector_load %arg11[%swap3A] {strides = array<i32>} : memref<128xf32, #tpu.memory_space<vmem>>, vector<16xf32>,
    %swap3A_8 = vector.shape_cast %swap3A_7 : vector<16xf32> to vector<16xf32>
    %swap3A_9 = vector.shape_cast %broadcast_in_dim3A_6 : vector<16xf32> to vector<16xf32>
    tpu.vector_store %arg11[%swap3A], %swap3A_9 {strides = array<i32>} : memref<128xf32, #tpu.memory_space<vmem>>, vector<16xf32>,
    %broadcast_in_dim3A_10 = arith.constant 1.000000e+00 : f32
    %broadcast_in_dim3A_11 = vector.broadcast %broadcast_in_dim3A_10 : f32 to vector<16xf32>
    %swap3A_12 = arith.constant 16 : index
    %swap3A_13 = tpu.vector_load %arg11[%swap3A_12] {strides = array<i32>} : memref<128xf32, #tpu.memory_space<vmem>>, vector<16xf32>,
    %swap3A_14 = vector.shape_cast %swap3A_13 : vector<16xf32> to vector<16xf32>
    %swap3A_15 = vector.shape_cast %broadcast_in_dim3A_11 : vector<16xf32> to vector<16xf32>
    tpu.vector_store %arg11[%swap3A_12], %swap3A_15 {strides = array<i32>} : memref<128xf32, #tpu.memory_space<vmem>>, vector<16xf32>,
    %broadcast_in_dim3A_16 = arith.constant 1.000000e+00 : f32
    %broadcast_in_dim3A_17 = vector.broadcast %broadcast_in_dim3A_16 : f32 to vector<16xf32>
    %swap3A_18 = arith.constant 32 : index
    %swap3A_19 = tpu.vector_load %arg11[%swap3A_18] {strides = array<i32>} : memref<128xf32, #tpu.memory_space<vmem>>, vector<16xf32>,
    %swap3A_20 = vector.shape_cast %swap3A_19 : vector<16xf32> to vector<16xf32>
    %swap3A_21 = vector.shape_cast %broadcast_in_dim3A_17 : vector<16xf32> to vector<16xf32>
    tpu.vector_store %arg11[%swap3A_18], %swap3A_21 {strides = array<i32>} : memref<128xf32, #tpu.memory_space<vmem>>, vector<16xf32>,
    %broadcast_in_dim3A_22 = arith.constant 1.000000e+00 : f32
    %broadcast_in_dim3A_23 = vector.broadcast %broadcast_in_dim3A_22 : f32 to vector<16xf32>
    %swap3A_24 = arith.constant 48 : index
    %swap3A_25 = tpu.vector_load %arg11[%swap3A_24] {strides = array<i32>} : memref<128xf32, #tpu.memory_space<vmem>>, vector<16xf32>,
    %swap3A_26 = vector.shape_cast %swap3A_25 : vector<16xf32> to vector<16xf32>
    %swap3A_27 = vector.shape_cast %broadcast_in_dim3A_23 : vector<16xf32> to vector<16xf32>
    tpu.vector_store %arg11[%swap3A_24], %swap3A_27 {strides = array<i32>} : memref<128xf32, #tpu.memory_space<vmem>>, vector<16xf32>,
    %broadcast_in_dim3A_28 = arith.constant 1.000000e+00 : f32
    %broadcast_in_dim3A_29 = vector.broadcast %broadcast_in_dim3A_28 : f32 to vector<16xf32>
    %swap3A_30 = arith.constant 64 : index
    %swap3A_31 = tpu.vector_load %arg11[%swap3A_30] {strides = array<i32>} : memref<128xf32, #tpu.memory_space<vmem>>, vector<16xf32>,
    %swap3A_32 = vector.shape_cast %swap3A_31 : vector<16xf32> to vector<16xf32>
    %swap3A_33 = vector.shape_cast %broadcast_in_dim3A_29 : vector<16xf32> to vector<16xf32>
    tpu.vector_store %arg11[%swap3A_30], %swap3A_33 {strides = array<i32>} : memref<128xf32, #tpu.memory_space<vmem>>, vector<16xf32>,
    %broadcast_in_dim3A_34 = arith.constant 1.000000e+00 : f32
    %broadcast_in_dim3A_35 = vector.broadcast %broadcast_in_dim3A_34 : f32 to vector<16xf32>
    %swap3A_36 = arith.constant 80 : index
    %swap3A_37 = tpu.vector_load %arg11[%swap3A_36] {strides = array<i32>} : memref<128xf32, #tpu.memory_space<vmem>>, vector<16xf32>,
    %swap3A_38 = vector.shape_cast %swap3A_37 : vector<16xf32> to vector<16xf32>
    %swap3A_39 = vector.shape_cast %broadcast_in_dim3A_35 : vector<16xf32> to vector<16xf32>
    tpu.vector_store %arg11[%swap3A_36], %swap3A_39 {strides = array<i32>} : memref<128xf32, #tpu.memory_space<vmem>>, vector<16xf32>,
    %broadcast_in_dim3A_40 = arith.constant 1.000000e+00 : f32
    %broadcast_in_dim3A_41 = vector.broadcast %broadcast_in_dim3A_40 : f32 to vector<16xf32>
    %swap3A_42 = arith.constant 96 : index
    %swap3A_43 = tpu.vector_load %arg11[%swap3A_42] {strides = array<i32>} : memref<128xf32, #tpu.memory_space<vmem>>, vector<16xf32>,
    %swap3A_44 = vector.shape_cast %swap3A_43 : vector<16xf32> to vector<16xf32>
    %swap3A_45 = vector.shape_cast %broadcast_in_dim3A_41 : vector<16xf32> to vector<16xf32>
    tpu.vector_store %arg11[%swap3A_42], %swap3A_45 {strides = array<i32>} : memref<128xf32, #tpu.memory_space<vmem>>, vector<16xf32>,
    %broadcast_in_dim3A_46 = arith.constant 1.000000e+00 : f32
    %broadcast_in_dim3A_47 = vector.broadcast %broadcast_in_dim3A_46 : f32 to vector<16xf32>
    %swap3A_48 = arith.constant 112 : index
    %swap3A_49 = tpu.vector_load %arg11[%swap3A_48] {strides = array<i32>} : memref<128xf32, #tpu.memory_space<vmem>>, vector<16xf32>,
    %swap3A_50 = vector.shape_cast %swap3A_49 : vector<16xf32> to vector<16xf32>
    %swap3A_51 = vector.shape_cast %broadcast_in_dim3A_47 : vector<16xf32> to vector<16xf32>
    tpu.vector_store %arg11[%swap3A_48], %swap3A_51 {strides = array<i32>} : memref<128xf32, #tpu.memory_space<vmem>>, vector<16xf32>,
    %add3A = arith.constant 0 : i32
    %add3A_52 = arith.addi %mul3A_0, %add3A : i32
    "tpu.region"() ({
      %run_scoped3A_138 = tpu.sem_alloc : memref<!tpu.dma_semaphore, #tpu.memory_space<semaphore_mem>>
      %dma_start3A = arith.constant 0 : i32
      %dma_start3A_139 = tpu.memref_slice %arg12[%add3A_52, %dma_start3A] : memref<10240x128xf32, #tpu.memory_space<vmem_shared>> -> memref<128x128xf32, #tpu.memory_space<vmem_shared>>
      %dma_start3A_140 = arith.constant 0 : i32
      %dma_start3A_141 = tpu.memref_slice %arg12[%add3A_52, %dma_start3A_140] : memref<10240x128xf32, #tpu.memory_space<vmem_shared>> -> memref<128x128xf32, #tpu.memory_space<vmem_shared>>
      tpu.enqueue_dma source(%arg10 : memref<128x128xf32, #tpu.memory_space<vmem>>) target(%dma_start3A_141 : memref<128x128xf32, #tpu.memory_space<vmem_shared>>) target_semaphore(%run_scoped3A_138 : memref<!tpu.dma_semaphore, #tpu.memory_space<semaphore_mem>>)
      %dma_wait3A = arith.constant 0 : i32
      %dma_wait3A_142 = tpu.memref_slice %arg12[%add3A_52, %dma_wait3A] : memref<10240x128xf32, #tpu.memory_space<vmem_shared>> -> memref<128x128xf32, #tpu.memory_space<vmem_shared>>
      %dma_wait3A_143 = arith.constant 0 : i32
      %dma_wait3A_144 = tpu.memref_slice %arg12[%add3A_52, %dma_wait3A_143] : memref<10240x128xf32, #tpu.memory_space<vmem_shared>> -> memref<128x128xf32, #tpu.memory_space<vmem_shared>>
      tpu.wait_dma2 semaphore(%run_scoped3A_138 : memref<!tpu.dma_semaphore, #tpu.memory_space<semaphore_mem>>) src(%arg10 : memref<128x128xf32, #tpu.memory_space<vmem>>) dst(%dma_wait3A_144 : memref<128x128xf32, #tpu.memory_space<vmem_shared>>)
      tpu.yield
    }) : () -> ()
    %add3A_53 = arith.constant 0 : i32
    %add3A_54 = arith.addi %mul3A_0, %add3A_53 : i32
    %run_scoped3A = arith.constant 0 : i32
    "tpu.region"() ({
      %run_scoped3A_138 = tpu.sem_alloc : memref<!tpu.dma_semaphore, #tpu.memory_space<semaphore_mem>>
      %dma_start3A = arith.constant 0 : i32
      %dma_start3A_139 = tpu.memref_slice %arg10[%run_scoped3A, %dma_start3A] : memref<128x128xf32, #tpu.memory_space<vmem>> -> memref<1x128xf32, #tpu.memory_space<vmem>>
      %dma_start3A_140 = tpu.memref_squeeze %dma_start3A_139 : memref<1x128xf32, #tpu.memory_space<vmem>> -> memref<128xf32, #tpu.memory_space<vmem>>
      %dma_start3A_141 = tpu.memref_slice %arg13[%add3A_54] : memref<10240xf32, #tpu.memory_space<vmem_shared>> -> memref<128xf32, #tpu.memory_space<vmem_shared>>
      %dma_start3A_142 = tpu.memref_slice %arg13[%add3A_54] : memref<10240xf32, #tpu.memory_space<vmem_shared>> -> memref<128xf32, #tpu.memory_space<vmem_shared>>
      %dma_start3A_143 = arith.constant 0 : i32
      %dma_start3A_144 = tpu.memref_slice %arg10[%run_scoped3A, %dma_start3A_143] : memref<128x128xf32, #tpu.memory_space<vmem>> -> memref<1x128xf32, #tpu.memory_space<vmem>>
      %dma_start3A_145 = tpu.memref_squeeze %dma_start3A_144 : memref<1x128xf32, #tpu.memory_space<vmem>> -> memref<128xf32, #tpu.memory_space<vmem>>
      tpu.enqueue_dma source(%dma_start3A_145 : memref<128xf32, #tpu.memory_space<vmem>>) target(%dma_start3A_142 : memref<128xf32, #tpu.memory_space<vmem_shared>>) target_semaphore(%run_scoped3A_138 : memref<!tpu.dma_semaphore, #tpu.memory_space<semaphore_mem>>)
      %dma_wait3A = arith.constant 0 : i32
      %dma_wait3A_146 = tpu.memref_slice %arg10[%run_scoped3A, %dma_wait3A] : memref<128x128xf32, #tpu.memory_space<vmem>> -> memref<1x128xf32, #tpu.memory_space<vmem>>
      %dma_wait3A_147 = tpu.memref_squeeze %dma_wait3A_146 : memref<1x128xf32, #tpu.memory_space<vmem>> -> memref<128xf32, #tpu.memory_space<vmem>>
      %dma_wait3A_148 = tpu.memref_slice %arg13[%add3A_54] : memref<10240xf32, #tpu.memory_space<vmem_shared>> -> memref<128xf32, #tpu.memory_space<vmem_shared>>
      %dma_wait3A_149 = tpu.memref_slice %arg13[%add3A_54] : memref<10240xf32, #tpu.memory_space<vmem_shared>> -> memref<128xf32, #tpu.memory_space<vmem_shared>>
      %dma_wait3A_150 = arith.constant 0 : i32
      %dma_wait3A_151 = tpu.memref_slice %arg10[%run_scoped3A, %dma_wait3A_150] : memref<128x128xf32, #tpu.memory_space<vmem>> -> memref<1x128xf32, #tpu.memory_space<vmem>>
      %dma_wait3A_152 = tpu.memref_squeeze %dma_wait3A_151 : memref<1x128xf32, #tpu.memory_space<vmem>> -> memref<128xf32, #tpu.memory_space<vmem>>
      tpu.wait_dma2 semaphore(%run_scoped3A_138 : memref<!tpu.dma_semaphore, #tpu.memory_space<semaphore_mem>>) src(%dma_wait3A_152 : memref<128xf32, #tpu.memory_space<vmem>>) dst(%dma_wait3A_149 : memref<128xf32, #tpu.memory_space<vmem_shared>>)
      tpu.yield
    }) : () -> ()
    %add3A_55 = arith.constant 128 : i32
    %add3A_56 = arith.addi %mul3A_0, %add3A_55 : i32
    "tpu.region"() ({
      %run_scoped3A_138 = tpu.sem_alloc : memref<!tpu.dma_semaphore, #tpu.memory_space<semaphore_mem>>
      %dma_start3A = arith.constant 0 : i32
      %dma_start3A_139 = tpu.memref_slice %arg12[%add3A_56, %dma_start3A] : memref<10240x128xf32, #tpu.memory_space<vmem_shared>> -> memref<128x128xf32, #tpu.memory_space<vmem_shared>>
      %dma_start3A_140 = arith.constant 0 : i32
      %dma_start3A_141 = tpu.memref_slice %arg12[%add3A_56, %dma_start3A_140] : memref<10240x128xf32, #tpu.memory_space<vmem_shared>> -> memref<128x128xf32, #tpu.memory_space<vmem_shared>>
      tpu.enqueue_dma source(%arg10 : memref<128x128xf32, #tpu.memory_space<vmem>>) target(%dma_start3A_141 : memref<128x128xf32, #tpu.memory_space<vmem_shared>>) target_semaphore(%run_scoped3A_138 : memref<!tpu.dma_semaphore, #tpu.memory_space<semaphore_mem>>)
      %dma_wait3A = arith.constant 0 : i32
      %dma_wait3A_142 = tpu.memref_slice %arg12[%add3A_56, %dma_wait3A] : memref<10240x128xf32, #tpu.memory_space<vmem_shared>> -> memref<128x128xf32, #tpu.memory_space<vmem_shared>>
      %dma_wait3A_143 = arith.constant 0 : i32
      %dma_wait3A_144 = tpu.memref_slice %arg12[%add3A_56, %dma_wait3A_143] : memref<10240x128xf32, #tpu.memory_space<vmem_shared>> -> memref<128x128xf32, #tpu.memory_space<vmem_shared>>
      tpu.wait_dma2 semaphore(%run_scoped3A_138 : memref<!tpu.dma_semaphore, #tpu.memory_space<semaphore_mem>>) src(%arg10 : memref<128x128xf32, #tpu.memory_space<vmem>>) dst(%dma_wait3A_144 : memref<128x128xf32, #tpu.memory_space<vmem_shared>>)
      tpu.yield
    }) : () -> ()
    %add3A_57 = arith.constant 128 : i32
    %add3A_58 = arith.addi %mul3A_0, %add3A_57 : i32
    %run_scoped3A_59 = arith.constant 0 : i32
    "tpu.region"() ({
      %run_scoped3A_138 = tpu.sem_alloc : memref<!tpu.dma_semaphore, #tpu.memory_space<semaphore_mem>>
      %dma_start3A = arith.constant 0 : i32
      %dma_start3A_139 = tpu.memref_slice %arg10[%run_scoped3A_59, %dma_start3A] : memref<128x128xf32, #tpu.memory_space<vmem>> -> memref<1x128xf32, #tpu.memory_space<vmem>>
      %dma_start3A_140 = tpu.memref_squeeze %dma_start3A_139 : memref<1x128xf32, #tpu.memory_space<vmem>> -> memref<128xf32, #tpu.memory_space<vmem>>
      %dma_start3A_141 = tpu.memref_slice %arg13[%add3A_58] : memref<10240xf32, #tpu.memory_space<vmem_shared>> -> memref<128xf32, #tpu.memory_space<vmem_shared>>
      %dma_start3A_142 = tpu.memref_slice %arg13[%add3A_58] : memref<10240xf32, #tpu.memory_space<vmem_shared>> -> memref<128xf32, #tpu.memory_space<vmem_shared>>
      %dma_start3A_143 = arith.constant 0 : i32
      %dma_start3A_144 = tpu.memref_slice %arg10[%run_scoped3A_59, %dma_start3A_143] : memref<128x128xf32, #tpu.memory_space<vmem>> -> memref<1x128xf32, #tpu.memory_space<vmem>>
      %dma_start3A_145 = tpu.memref_squeeze %dma_start3A_144 : memref<1x128xf32, #tpu.memory_space<vmem>> -> memref<128xf32, #tpu.memory_space<vmem>>
      tpu.enqueue_dma source(%dma_start3A_145 : memref<128xf32, #tpu.memory_space<vmem>>) target(%dma_start3A_142 : memref<128xf32, #tpu.memory_space<vmem_shared>>) target_semaphore(%run_scoped3A_138 : memref<!tpu.dma_semaphore, #tpu.memory_space<semaphore_mem>>)
      %dma_wait3A = arith.constant 0 : i32
      %dma_wait3A_146 = tpu.memref_slice %arg10[%run_scoped3A_59, %dma_wait3A] : memref<128x128xf32, #tpu.memory_space<vmem>> -> memref<1x128xf32, #tpu.memory_space<vmem>>
      %dma_wait3A_147 = tpu.memref_squeeze %dma_wait3A_146 : memref<1x128xf32, #tpu.memory_space<vmem>> -> memref<128xf32, #tpu.memory_space<vmem>>
      %dma_wait3A_148 = tpu.memref_slice %arg13[%add3A_58] : memref<10240xf32, #tpu.memory_space<vmem_shared>> -> memref<128xf32, #tpu.memory_space<vmem_shared>>
      %dma_wait3A_149 = tpu.memref_slice %arg13[%add3A_58] : memref<10240xf32, #tpu.memory_space<vmem_shared>> -> memref<128xf32, #tpu.memory_space<vmem_shared>>
      %dma_wait3A_150 = arith.constant 0 : i32
      %dma_wait3A_151 = tpu.memref_slice %arg10[%run_scoped3A_59, %dma_wait3A_150] : memref<128x128xf32, #tpu.memory_space<vmem>> -> memref<1x128xf32, #tpu.memory_space<vmem>>
      %dma_wait3A_152 = tpu.memref_squeeze %dma_wait3A_151 : memref<1x128xf32, #tpu.memory_space<vmem>> -> memref<128xf32, #tpu.memory_space<vmem>>
      tpu.wait_dma2 semaphore(%run_scoped3A_138 : memref<!tpu.dma_semaphore, #tpu.memory_space<semaphore_mem>>) src(%dma_wait3A_152 : memref<128xf32, #tpu.memory_space<vmem>>) dst(%dma_wait3A_149 : memref<128xf32, #tpu.memory_space<vmem_shared>>)
      tpu.yield
    }) : () -> ()
    %add3A_60 = arith.constant 256 : i32
    %add3A_61 = arith.addi %mul3A_0, %add3A_60 : i32
    "tpu.region"() ({
      %run_scoped3A_138 = tpu.sem_alloc : memref<!tpu.dma_semaphore, #tpu.memory_space<semaphore_mem>>
      %dma_start3A = arith.constant 0 : i32
      %dma_start3A_139 = tpu.memref_slice %arg12[%add3A_61, %dma_start3A] : memref<10240x128xf32, #tpu.memory_space<vmem_shared>> -> memref<128x128xf32, #tpu.memory_space<vmem_shared>>
      %dma_start3A_140 = arith.constant 0 : i32
      %dma_start3A_141 = tpu.memref_slice %arg12[%add3A_61, %dma_start3A_140] : memref<10240x128xf32, #tpu.memory_space<vmem_shared>> -> memref<128x128xf32, #tpu.memory_space<vmem_shared>>
      tpu.enqueue_dma source(%arg10 : memref<128x128xf32, #tpu.memory_space<vmem>>) target(%dma_start3A_141 : memref<128x128xf32, #tpu.memory_space<vmem_shared>>) target_semaphore(%run_scoped3A_138 : memref<!tpu.dma_semaphore, #tpu.memory_space<semaphore_mem>>)
      %dma_wait3A = arith.constant 0 : i32
      %dma_wait3A_142 = tpu.memref_slice %arg12[%add3A_61, %dma_wait3A] : memref<10240x128xf32, #tpu.memory_space<vmem_shared>> -> memref<128x128xf32, #tpu.memory_space<vmem_shared>>
      %dma_wait3A_143 = arith.constant 0 : i32
      %dma_wait3A_144 = tpu.memref_slice %arg12[%add3A_61, %dma_wait3A_143] : memref<10240x128xf32, #tpu.memory_space<vmem_shared>> -> memref<128x128xf32, #tpu.memory_space<vmem_shared>>
      tpu.wait_dma2 semaphore(%run_scoped3A_138 : memref<!tpu.dma_semaphore, #tpu.memory_space<semaphore_mem>>) src(%arg10 : memref<128x128xf32, #tpu.memory_space<vmem>>) dst(%dma_wait3A_144 : memref<128x128xf32, #tpu.memory_space<vmem_shared>>)
      tpu.yield
    }) : () -> ()
    %add3A_62 = arith.constant 256 : i32
    %add3A_63 = arith.addi %mul3A_0, %add3A_62 : i32
    %run_scoped3A_64 = arith.constant 0 : i32
    "tpu.region"() ({
      %run_scoped3A_138 = tpu.sem_alloc : memref<!tpu.dma_semaphore, #tpu.memory_space<semaphore_mem>>
      %dma_start3A = arith.constant 0 : i32
      %dma_start3A_139 = tpu.memref_slice %arg10[%run_scoped3A_64, %dma_start3A] : memref<128x128xf32, #tpu.memory_space<vmem>> -> memref<1x128xf32, #tpu.memory_space<vmem>>
      %dma_start3A_140 = tpu.memref_squeeze %dma_start3A_139 : memref<1x128xf32, #tpu.memory_space<vmem>> -> memref<128xf32, #tpu.memory_space<vmem>>
      %dma_start3A_141 = tpu.memref_slice %arg13[%add3A_63] : memref<10240xf32, #tpu.memory_space<vmem_shared>> -> memref<128xf32, #tpu.memory_space<vmem_shared>>
      %dma_start3A_142 = tpu.memref_slice %arg13[%add3A_63] : memref<10240xf32, #tpu.memory_space<vmem_shared>> -> memref<128xf32, #tpu.memory_space<vmem_shared>>
      %dma_start3A_143 = arith.constant 0 : i32
      %dma_start3A_144 = tpu.memref_slice %arg10[%run_scoped3A_64, %dma_start3A_143] : memref<128x128xf32, #tpu.memory_space<vmem>> -> memref<1x128xf32, #tpu.memory_space<vmem>>
      %dma_start3A_145 = tpu.memref_squeeze %dma_start3A_144 : memref<1x128xf32, #tpu.memory_space<vmem>> -> memref<128xf32, #tpu.memory_space<vmem>>
      tpu.enqueue_dma source(%dma_start3A_145 : memref<128xf32, #tpu.memory_space<vmem>>) target(%dma_start3A_142 : memref<128xf32, #tpu.memory_space<vmem_shared>>) target_semaphore(%run_scoped3A_138 : memref<!tpu.dma_semaphore, #tpu.memory_space<semaphore_mem>>)
      %dma_wait3A = arith.constant 0 : i32
      %dma_wait3A_146 = tpu.memref_slice %arg10[%run_scoped3A_64, %dma_wait3A] : memref<128x128xf32, #tpu.memory_space<vmem>> -> memref<1x128xf32, #tpu.memory_space<vmem>>
      %dma_wait3A_147 = tpu.memref_squeeze %dma_wait3A_146 : memref<1x128xf32, #tpu.memory_space<vmem>> -> memref<128xf32, #tpu.memory_space<vmem>>
      %dma_wait3A_148 = tpu.memref_slice %arg13[%add3A_63] : memref<10240xf32, #tpu.memory_space<vmem_shared>> -> memref<128xf32, #tpu.memory_space<vmem_shared>>
      %dma_wait3A_149 = tpu.memref_slice %arg13[%add3A_63] : memref<10240xf32, #tpu.memory_space<vmem_shared>> -> memref<128xf32, #tpu.memory_space<vmem_shared>>
      %dma_wait3A_150 = arith.constant 0 : i32
      %dma_wait3A_151 = tpu.memref_slice %arg10[%run_scoped3A_64, %dma_wait3A_150] : memref<128x128xf32, #tpu.memory_space<vmem>> -> memref<1x128xf32, #tpu.memory_space<vmem>>
      %dma_wait3A_152 = tpu.memref_squeeze %dma_wait3A_151 : memref<1x128xf32, #tpu.memory_space<vmem>> -> memref<128xf32, #tpu.memory_space<vmem>>
      tpu.wait_dma2 semaphore(%run_scoped3A_138 : memref<!tpu.dma_semaphore, #tpu.memory_space<semaphore_mem>>) src(%dma_wait3A_152 : memref<128xf32, #tpu.memory_space<vmem>>) dst(%dma_wait3A_149 : memref<128xf32, #tpu.memory_space<vmem_shared>>)
      tpu.yield
    }) : () -> ()
    %add3A_65 = arith.constant 384 : i32
    %add3A_66 = arith.addi %mul3A_0, %add3A_65 : i32
    "tpu.region"() ({
      %run_scoped3A_138 = tpu.sem_alloc : memref<!tpu.dma_semaphore, #tpu.memory_space<semaphore_mem>>
      %dma_start3A = arith.constant 0 : i32
      %dma_start3A_139 = tpu.memref_slice %arg12[%add3A_66, %dma_start3A] : memref<10240x128xf32, #tpu.memory_space<vmem_shared>> -> memref<128x128xf32, #tpu.memory_space<vmem_shared>>
      %dma_start3A_140 = arith.constant 0 : i32
      %dma_start3A_141 = tpu.memref_slice %arg12[%add3A_66, %dma_start3A_140] : memref<10240x128xf32, #tpu.memory_space<vmem_shared>> -> memref<128x128xf32, #tpu.memory_space<vmem_shared>>
      tpu.enqueue_dma source(%arg10 : memref<128x128xf32, #tpu.memory_space<vmem>>) target(%dma_start3A_141 : memref<128x128xf32, #tpu.memory_space<vmem_shared>>) target_semaphore(%run_scoped3A_138 : memref<!tpu.dma_semaphore, #tpu.memory_space<semaphore_mem>>)
      %dma_wait3A = arith.constant 0 : i32
      %dma_wait3A_142 = tpu.memref_slice %arg12[%add3A_66, %dma_wait3A] : memref<10240x128xf32, #tpu.memory_space<vmem_shared>> -> memref<128x128xf32, #tpu.memory_space<vmem_shared>>
      %dma_wait3A_143 = arith.constant 0 : i32
      %dma_wait3A_144 = tpu.memref_slice %arg12[%add3A_66, %dma_wait3A_143] : memref<10240x128xf32, #tpu.memory_space<vmem_shared>> -> memref<128x128xf32, #tpu.memory_space<vmem_shared>>
      tpu.wait_dma2 semaphore(%run_scoped3A_138 : memref<!tpu.dma_semaphore, #tpu.memory_space<semaphore_mem>>) src(%arg10 : memref<128x128xf32, #tpu.memory_space<vmem>>) dst(%dma_wait3A_144 : memref<128x128xf32, #tpu.memory_space<vmem_shared>>)
      tpu.yield
    }) : () -> ()
    %add3A_67 = arith.constant 384 : i32
    %add3A_68 = arith.addi %mul3A_0, %add3A_67 : i32
    %run_scoped3A_69 = arith.constant 0 : i32
    "tpu.region"() ({
      %run_scoped3A_138 = tpu.sem_alloc : memref<!tpu.dma_semaphore, #tpu.memory_space<semaphore_mem>>
      %dma_start3A = arith.constant 0 : i32
      %dma_start3A_139 = tpu.memref_slice %arg10[%run_scoped3A_69, %dma_start3A] : memref<128x128xf32, #tpu.memory_space<vmem>> -> memref<1x128xf32, #tpu.memory_space<vmem>>
      %dma_start3A_140 = tpu.memref_squeeze %dma_start3A_139 : memref<1x128xf32, #tpu.memory_space<vmem>> -> memref<128xf32, #tpu.memory_space<vmem>>
      %dma_start3A_141 = tpu.memref_slice %arg13[%add3A_68] : memref<10240xf32, #tpu.memory_space<vmem_shared>> -> memref<128xf32, #tpu.memory_space<vmem_shared>>
      %dma_start3A_142 = tpu.memref_slice %arg13[%add3A_68] : memref<10240xf32, #tpu.memory_space<vmem_shared>> -> memref<128xf32, #tpu.memory_space<vmem_shared>>
      %dma_start3A_143 = arith.constant 0 : i32
      %dma_start3A_144 = tpu.memref_slice %arg10[%run_scoped3A_69, %dma_start3A_143] : memref<128x128xf32, #tpu.memory_space<vmem>> -> memref<1x128xf32, #tpu.memory_space<vmem>>
      %dma_start3A_145 = tpu.memref_squeeze %dma_start3A_144 : memref<1x128xf32, #tpu.memory_space<vmem>> -> memref<128xf32, #tpu.memory_space<vmem>>
      tpu.enqueue_dma source(%dma_start3A_145 : memref<128xf32, #tpu.memory_space<vmem>>) target(%dma_start3A_142 : memref<128xf32, #tpu.memory_space<vmem_shared>>) target_semaphore(%run_scoped3A_138 : memref<!tpu.dma_semaphore, #tpu.memory_space<semaphore_mem>>)
      %dma_wait3A = arith.constant 0 : i32
      %dma_wait3A_146 = tpu.memref_slice %arg10[%run_scoped3A_69, %dma_wait3A] : memref<128x128xf32, #tpu.memory_space<vmem>> -> memref<1x128xf32, #tpu.memory_space<vmem>>
      %dma_wait3A_147 = tpu.memref_squeeze %dma_wait3A_146 : memref<1x128xf32, #tpu.memory_space<vmem>> -> memref<128xf32, #tpu.memory_space<vmem>>
      %dma_wait3A_148 = tpu.memref_slice %arg13[%add3A_68] : memref<10240xf32, #tpu.memory_space<vmem_shared>> -> memref<128xf32, #tpu.memory_space<vmem_shared>>
      %dma_wait3A_149 = tpu.memref_slice %arg13[%add3A_68] : memref<10240xf32, #tpu.memory_space<vmem_shared>> -> memref<128xf32, #tpu.memory_space<vmem_shared>>
      %dma_wait3A_150 = arith.constant 0 : i32
      %dma_wait3A_151 = tpu.memref_slice %arg10[%run_scoped3A_69, %dma_wait3A_150] : memref<128x128xf32, #tpu.memory_space<vmem>> -> memref<1x128xf32, #tpu.memory_space<vmem>>
      %dma_wait3A_152 = tpu.memref_squeeze %dma_wait3A_151 : memref<1x128xf32, #tpu.memory_space<vmem>> -> memref<128xf32, #tpu.memory_space<vmem>>
      tpu.wait_dma2 semaphore(%run_scoped3A_138 : memref<!tpu.dma_semaphore, #tpu.memory_space<semaphore_mem>>) src(%dma_wait3A_152 : memref<128xf32, #tpu.memory_space<vmem>>) dst(%dma_wait3A_149 : memref<128xf32, #tpu.memory_space<vmem_shared>>)
      tpu.yield
    }) : () -> ()
    %add3A_70 = arith.constant 512 : i32
    %add3A_71 = arith.addi %mul3A_0, %add3A_70 : i32
    "tpu.region"() ({
      %run_scoped3A_138 = tpu.sem_alloc : memref<!tpu.dma_semaphore, #tpu.memory_space<semaphore_mem>>
      %dma_start3A = arith.constant 0 : i32
      %dma_start3A_139 = tpu.memref_slice %arg12[%add3A_71, %dma_start3A] : memref<10240x128xf32, #tpu.memory_space<vmem_shared>> -> memref<128x128xf32, #tpu.memory_space<vmem_shared>>
      %dma_start3A_140 = arith.constant 0 : i32
      %dma_start3A_141 = tpu.memref_slice %arg12[%add3A_71, %dma_start3A_140] : memref<10240x128xf32, #tpu.memory_space<vmem_shared>> -> memref<128x128xf32, #tpu.memory_space<vmem_shared>>
      tpu.enqueue_dma source(%arg10 : memref<128x128xf32, #tpu.memory_space<vmem>>) target(%dma_start3A_141 : memref<128x128xf32, #tpu.memory_space<vmem_shared>>) target_semaphore(%run_scoped3A_138 : memref<!tpu.dma_semaphore, #tpu.memory_space<semaphore_mem>>)
      %dma_wait3A = arith.constant 0 : i32
      %dma_wait3A_142 = tpu.memref_slice %arg12[%add3A_71, %dma_wait3A] : memref<10240x128xf32, #tpu.memory_space<vmem_shared>> -> memref<128x128xf32, #tpu.memory_space<vmem_shared>>
      %dma_wait3A_143 = arith.constant 0 : i32
      %dma_wait3A_144 = tpu.memref_slice %arg12[%add3A_71, %dma_wait3A_143] : memref<10240x128xf32, #tpu.memory_space<vmem_shared>> -> memref<128x128xf32, #tpu.memory_space<vmem_shared>>
      tpu.wait_dma2 semaphore(%run_scoped3A_138 : memref<!tpu.dma_semaphore, #tpu.memory_space<semaphore_mem>>) src(%arg10 : memref<128x128xf32, #tpu.memory_space<vmem>>) dst(%dma_wait3A_144 : memref<128x128xf32, #tpu.memory_space<vmem_shared>>)
      tpu.yield
    }) : () -> ()
    %add3A_72 = arith.constant 512 : i32
    %add3A_73 = arith.addi %mul3A_0, %add3A_72 : i32
    %run_scoped3A_74 = arith.constant 0 : i32
    "tpu.region"() ({
      %run_scoped3A_138 = tpu.sem_alloc : memref<!tpu.dma_semaphore, #tpu.memory_space<semaphore_mem>>
      %dma_start3A = arith.constant 0 : i32
      %dma_start3A_139 = tpu.memref_slice %arg10[%run_scoped3A_74, %dma_start3A] : memref<128x128xf32, #tpu.memory_space<vmem>> -> memref<1x128xf32, #tpu.memory_space<vmem>>
      %dma_start3A_140 = tpu.memref_squeeze %dma_start3A_139 : memref<1x128xf32, #tpu.memory_space<vmem>> -> memref<128xf32, #tpu.memory_space<vmem>>
      %dma_start3A_141 = tpu.memref_slice %arg13[%add3A_73] : memref<10240xf32, #tpu.memory_space<vmem_shared>> -> memref<128xf32, #tpu.memory_space<vmem_shared>>
      %dma_start3A_142 = tpu.memref_slice %arg13[%add3A_73] : memref<10240xf32, #tpu.memory_space<vmem_shared>> -> memref<128xf32, #tpu.memory_space<vmem_shared>>
      %dma_start3A_143 = arith.constant 0 : i32
      %dma_start3A_144 = tpu.memref_slice %arg10[%run_scoped3A_74, %dma_start3A_143] : memref<128x128xf32, #tpu.memory_space<vmem>> -> memref<1x128xf32, #tpu.memory_space<vmem>>
      %dma_start3A_145 = tpu.memref_squeeze %dma_start3A_144 : memref<1x128xf32, #tpu.memory_space<vmem>> -> memref<128xf32, #tpu.memory_space<vmem>>
      tpu.enqueue_dma source(%dma_start3A_145 : memref<128xf32, #tpu.memory_space<vmem>>) target(%dma_start3A_142 : memref<128xf32, #tpu.memory_space<vmem_shared>>) target_semaphore(%run_scoped3A_138 : memref<!tpu.dma_semaphore, #tpu.memory_space<semaphore_mem>>)
      %dma_wait3A = arith.constant 0 : i32
      %dma_wait3A_146 = tpu.memref_slice %arg10[%run_scoped3A_74, %dma_wait3A] : memref<128x128xf32, #tpu.memory_space<vmem>> -> memref<1x128xf32, #tpu.memory_space<vmem>>
      %dma_wait3A_147 = tpu.memref_squeeze %dma_wait3A_146 : memref<1x128xf32, #tpu.memory_space<vmem>> -> memref<128xf32, #tpu.memory_space<vmem>>
      %dma_wait3A_148 = tpu.memref_slice %arg13[%add3A_73] : memref<10240xf32, #tpu.memory_space<vmem_shared>> -> memref<128xf32, #tpu.memory_space<vmem_shared>>
      %dma_wait3A_149 = tpu.memref_slice %arg13[%add3A_73] : memref<10240xf32, #tpu.memory_space<vmem_shared>> -> memref<128xf32, #tpu.memory_space<vmem_shared>>
      %dma_wait3A_150 = arith.constant 0 : i32
      %dma_wait3A_151 = tpu.memref_slice %arg10[%run_scoped3A_74, %dma_wait3A_150] : memref<128x128xf32, #tpu.memory_space<vmem>> -> memref<1x128xf32, #tpu.memory_space<vmem>>
      %dma_wait3A_152 = tpu.memref_squeeze %dma_wait3A_151 : memref<1x128xf32, #tpu.memory_space<vmem>> -> memref<128xf32, #tpu.memory_space<vmem>>
      tpu.wait_dma2 semaphore(%run_scoped3A_138 : memref<!tpu.dma_semaphore, #tpu.memory_space<semaphore_mem>>) src(%dma_wait3A_152 : memref<128xf32, #tpu.memory_space<vmem>>) dst(%dma_wait3A_149 : memref<128xf32, #tpu.memory_space<vmem_shared>>)
      tpu.yield
    }) : () -> ()
    "tpu.region"() ({
      %run_scoped3A_138 = tpu.sem_alloc : memref<!tpu.dma_semaphore, #tpu.memory_space<semaphore_mem>>
      %dma_start3A = arith.constant 0 : i32
      %dma_start3A_139 = arith.constant 0 : i32
      %dma_start3A_140 = tpu.memref_slice %arg4[%arg1, %dma_start3A, %dma_start3A_139] : memref<16x79x128xi32, #tpu.memory_space<hbm>> -> memref<1x79x128xi32, #tpu.memory_space<hbm>>
      %dma_start3A_141 = tpu.memref_squeeze %dma_start3A_140 : memref<1x79x128xi32, #tpu.memory_space<hbm>> -> memref<79x128xi32, #tpu.memory_space<hbm>>
      %dma_start3A_142 = arith.constant 0 : i32
      %dma_start3A_143 = arith.constant 0 : i32
      %dma_start3A_144 = tpu.memref_slice %arg4[%arg1, %dma_start3A_142, %dma_start3A_143] : memref<16x79x128xi32, #tpu.memory_space<hbm>> -> memref<1x79x128xi32, #tpu.memory_space<hbm>>
      %dma_start3A_145 = tpu.memref_squeeze %dma_start3A_144 : memref<1x79x128xi32, #tpu.memory_space<hbm>> -> memref<79x128xi32, #tpu.memory_space<hbm>>
      tpu.enqueue_dma source(%dma_start3A_145 : memref<79x128xi32, #tpu.memory_space<hbm>>) target(%arg9 : memref<79x128xi32, #tpu.memory_space<vmem>>) target_semaphore(%run_scoped3A_138 : memref<!tpu.dma_semaphore, #tpu.memory_space<semaphore_mem>>)
      %dma_wait3A = arith.constant 0 : i32
      %dma_wait3A_146 = arith.constant 0 : i32
      %dma_wait3A_147 = tpu.memref_slice %arg4[%arg1, %dma_wait3A, %dma_wait3A_146] : memref<16x79x128xi32, #tpu.memory_space<hbm>> -> memref<1x79x128xi32, #tpu.memory_space<hbm>>
      %dma_wait3A_148 = tpu.memref_squeeze %dma_wait3A_147 : memref<1x79x128xi32, #tpu.memory_space<hbm>> -> memref<79x128xi32, #tpu.memory_space<hbm>>
      %dma_wait3A_149 = arith.constant 0 : i32
      %dma_wait3A_150 = arith.constant 0 : i32
      %dma_wait3A_151 = tpu.memref_slice %arg4[%arg1, %dma_wait3A_149, %dma_wait3A_150] : memref<16x79x128xi32, #tpu.memory_space<hbm>> -> memref<1x79x128xi32, #tpu.memory_space<hbm>>
      %dma_wait3A_152 = tpu.memref_squeeze %dma_wait3A_151 : memref<1x79x128xi32, #tpu.memory_space<hbm>> -> memref<79x128xi32, #tpu.memory_space<hbm>>
      tpu.wait_dma2 semaphore(%run_scoped3A_138 : memref<!tpu.dma_semaphore, #tpu.memory_space<semaphore_mem>>) src(%dma_wait3A_152 : memref<79x128xi32, #tpu.memory_space<hbm>>) dst(%arg9 : memref<79x128xi32, #tpu.memory_space<vmem>>)
      tpu.yield
    }) : () -> ()
    %barrier3A = arith.constant 0 : index
    tpu.barrier barrier_id(%barrier3A)
    "tpu.region"() ({
      %run_scoped3A_138 = tpu.sem_alloc : memref<!tpu.dma_semaphore, #tpu.memory_space<semaphore_mem>>
      %dma_start3A = arith.constant 0 : i32
      %dma_start3A_139 = arith.constant 0 : i32
      %dma_start3A_140 = tpu.memref_slice %arg3[%arg0, %arg1, %dma_start3A, %dma_start3A_139] : memref<3x16x79x128xi32, #tpu.memory_space<hbm>> -> memref<1x1x79x128xi32, #tpu.memory_space<hbm>>
      %dma_start3A_141 = tpu.memref_squeeze %dma_start3A_140 : memref<1x1x79x128xi32, #tpu.memory_space<hbm>> -> memref<79x128xi32, #tpu.memory_space<hbm>>
      %dma_start3A_142 = arith.constant 0 : i32
      %dma_start3A_143 = arith.constant 0 : i32
      %dma_start3A_144 = tpu.memref_slice %arg3[%arg0, %arg1, %dma_start3A_142, %dma_start3A_143] : memref<3x16x79x128xi32, #tpu.memory_space<hbm>> -> memref<1x1x79x128xi32, #tpu.memory_space<hbm>>
      %dma_start3A_145 = tpu.memref_squeeze %dma_start3A_144 : memref<1x1x79x128xi32, #tpu.memory_space<hbm>> -> memref<79x128xi32, #tpu.memory_space<hbm>>
      tpu.enqueue_dma source(%dma_start3A_145 : memref<79x128xi32, #tpu.memory_space<hbm>>) target(%arg8 : memref<79x128xi32, #tpu.memory_space<vmem>>) target_semaphore(%run_scoped3A_138 : memref<!tpu.dma_semaphore, #tpu.memory_space<semaphore_mem>>)
      %dma_wait3A = arith.constant 0 : i32
      %dma_wait3A_146 = arith.constant 0 : i32
      %dma_wait3A_147 = tpu.memref_slice %arg3[%arg0, %arg1, %dma_wait3A, %dma_wait3A_146] : memref<3x16x79x128xi32, #tpu.memory_space<hbm>> -> memref<1x1x79x128xi32, #tpu.memory_space<hbm>>
      %dma_wait3A_148 = tpu.memref_squeeze %dma_wait3A_147 : memref<1x1x79x128xi32, #tpu.memory_space<hbm>> -> memref<79x128xi32, #tpu.memory_space<hbm>>
      %dma_wait3A_149 = arith.constant 0 : i32
      %dma_wait3A_150 = arith.constant 0 : i32
      %dma_wait3A_151 = tpu.memref_slice %arg3[%arg0, %arg1, %dma_wait3A_149, %dma_wait3A_150] : memref<3x16x79x128xi32, #tpu.memory_space<hbm>> -> memref<1x1x79x128xi32, #tpu.memory_space<hbm>>
      %dma_wait3A_152 = tpu.memref_squeeze %dma_wait3A_151 : memref<1x1x79x128xi32, #tpu.memory_space<hbm>> -> memref<79x128xi32, #tpu.memory_space<hbm>>
      tpu.wait_dma2 semaphore(%run_scoped3A_138 : memref<!tpu.dma_semaphore, #tpu.memory_space<semaphore_mem>>) src(%dma_wait3A_152 : memref<79x128xi32, #tpu.memory_space<hbm>>) dst(%arg8 : memref<79x128xi32, #tpu.memory_space<vmem>>)
      tpu.yield
    }) : () -> ()
    %scan3A_75 = arith.constant 0 : i32
    %scan3A_76 = arith.constant 0 : i32
    %scan3A_77 = arith.constant 79 : i32
    %scan3A_78 = arith.addi %scan3A_76, %scan3A_77 : i32
    %scan3A_79 = arith.constant 1 : i32
    scf.for %scan3A_138 = %scan3A_76 to %scan3A_78 step %scan3A_79  : i32 {
      %dma_start3A = arith.constant 0 : i32
      %dma_start3A_139 = tpu.memref_slice %arg8[%scan3A_138, %dma_start3A] : memref<79x128xi32, #tpu.memory_space<vmem>> -> memref<1x128xi32, #tpu.memory_space<vmem>>
      %dma_start3A_140 = tpu.memref_squeeze %dma_start3A_139 : memref<1x128xi32, #tpu.memory_space<vmem>> -> memref<128xi32, #tpu.memory_space<vmem>>
      %dma_start3A_141 = arith.constant 0 : i32
      %dma_start3A_142 = arith.constant 0 : i32
      %dma_start3A_143 = tpu.memref_slice %arg2[%dma_start3A_141, %dma_start3A_142] : memref<6000x128xf32, #tpu.memory_space<hbm>> -> memref<6000x128xf32, #tpu.memory_space<hbm>>
      tpu.enqueue_indirect_dma source(%dma_start3A_143 : memref<6000x128xf32, #tpu.memory_space<hbm>>) target(%arg10 : memref<128x128xf32, #tpu.memory_space<vmem>>) offsets(%dma_start3A_140 : memref<128xi32, #tpu.memory_space<vmem>>) semaphore(%arg14 : memref<!tpu.dma_semaphore, #tpu.memory_space<semaphore_mem>>)
      %dma_wait3A = arith.constant 0 : i32
      %dma_wait3A_144 = tpu.memref_slice %arg8[%scan3A_138, %dma_wait3A] : memref<79x128xi32, #tpu.memory_space<vmem>> -> memref<1x128xi32, #tpu.memory_space<vmem>>
      %dma_wait3A_145 = tpu.memref_squeeze %dma_wait3A_144 : memref<1x128xi32, #tpu.memory_space<vmem>> -> memref<128xi32, #tpu.memory_space<vmem>>
      %dma_wait3A_146 = arith.constant 0 : i32
      %dma_wait3A_147 = arith.constant 0 : i32
      %dma_wait3A_148 = tpu.memref_slice %arg2[%dma_wait3A_146, %dma_wait3A_147] : memref<6000x128xf32, #tpu.memory_space<hbm>> -> memref<6000x128xf32, #tpu.memory_space<hbm>>
      tpu.wait_indirect_dma semaphore(%arg14 : memref<!tpu.dma_semaphore, #tpu.memory_space<semaphore_mem>>) src(%dma_wait3A_148 : memref<6000x128xf32, #tpu.memory_space<hbm>>) dst(%arg10 : memref<128x128xf32, #tpu.memory_space<vmem>>)
      "tpu.region"() ({
        %run_scoped3A_149 = tpu.sem_alloc : memref<!tpu.dma_semaphore, #tpu.memory_space<semaphore_mem>>
        %dma_start3A_150 = arith.constant 0 : i32
        %dma_start3A_151 = tpu.memref_slice %arg9[%scan3A_138, %dma_start3A_150] : memref<79x128xi32, #tpu.memory_space<vmem>> -> memref<1x128xi32, #tpu.memory_space<vmem>>
        %dma_start3A_152 = tpu.memref_squeeze %dma_start3A_151 : memref<1x128xi32, #tpu.memory_space<vmem>> -> memref<128xi32, #tpu.memory_space<vmem>>
        %dma_start3A_153 = arith.constant 0 : i32
        %dma_start3A_154 = arith.constant 0 : i32
        %dma_start3A_155 = tpu.memref_slice %arg12[%dma_start3A_153, %dma_start3A_154] : memref<10240x128xf32, #tpu.memory_space<vmem_shared>> -> memref<10240x128xf32, #tpu.memory_space<vmem_shared>>
        tpu.enqueue_indirect_dma source(%arg10 : memref<128x128xf32, #tpu.memory_space<vmem>>) target(%dma_start3A_155 : memref<10240x128xf32, #tpu.memory_space<vmem_shared>>) offsets(%dma_start3A_152 : memref<128xi32, #tpu.memory_space<vmem>>) semaphore(%run_scoped3A_149 : memref<!tpu.dma_semaphore, #tpu.memory_space<semaphore_mem>>) {add = true}
        %dma_wait3A_156 = arith.constant 0 : i32
        %dma_wait3A_157 = tpu.memref_slice %arg9[%scan3A_138, %dma_wait3A_156] : memref<79x128xi32, #tpu.memory_space<vmem>> -> memref<1x128xi32, #tpu.memory_space<vmem>>
        %dma_wait3A_158 = tpu.memref_squeeze %dma_wait3A_157 : memref<1x128xi32, #tpu.memory_space<vmem>> -> memref<128xi32, #tpu.memory_space<vmem>>
        %dma_wait3A_159 = arith.constant 0 : i32
        %dma_wait3A_160 = arith.constant 0 : i32
        %dma_wait3A_161 = tpu.memref_slice %arg12[%dma_wait3A_159, %dma_wait3A_160] : memref<10240x128xf32, #tpu.memory_space<vmem_shared>> -> memref<10240x128xf32, #tpu.memory_space<vmem_shared>>
        tpu.wait_indirect_dma semaphore(%run_scoped3A_149 : memref<!tpu.dma_semaphore, #tpu.memory_space<semaphore_mem>>) src(%arg10 : memref<128x128xf32, #tpu.memory_space<vmem>>) dst(%dma_wait3A_161 : memref<10240x128xf32, #tpu.memory_space<vmem_shared>>)
        tpu.yield
      }) : () -> ()
    }
    %scan3A_80 = arith.constant 79 : i32
    %scan3A_81 = arith.constant 0 : i32
    %scan3A_82 = arith.constant 0 : i32
    %scan3A_83 = arith.constant 79 : i32
    %scan3A_84 = arith.addi %scan3A_82, %scan3A_83 : i32
    %scan3A_85 = arith.constant 1 : i32
    scf.for %scan3A_138 = %scan3A_82 to %scan3A_84 step %scan3A_85  : i32 {
      "tpu.region"() ({
        %run_scoped3A_139 = tpu.sem_alloc : memref<!tpu.dma_semaphore, #tpu.memory_space<semaphore_mem>>
        %dma_start3A = arith.constant 0 : i32
        %dma_start3A_140 = tpu.memref_slice %arg9[%scan3A_138, %dma_start3A] : memref<79x128xi32, #tpu.memory_space<vmem>> -> memref<1x128xi32, #tpu.memory_space<vmem>>
        %dma_start3A_141 = tpu.memref_squeeze %dma_start3A_140 : memref<1x128xi32, #tpu.memory_space<vmem>> -> memref<128xi32, #tpu.memory_space<vmem>>
        %dma_start3A_142 = arith.constant 0 : i32
        %dma_start3A_143 = tpu.memref_slice %arg13[%dma_start3A_142] : memref<10240xf32, #tpu.memory_space<vmem_shared>> -> memref<10240xf32, #tpu.memory_space<vmem_shared>>
        tpu.enqueue_indirect_dma source(%arg11 : memref<128xf32, #tpu.memory_space<vmem>>) target(%dma_start3A_143 : memref<10240xf32, #tpu.memory_space<vmem_shared>>) offsets(%dma_start3A_141 : memref<128xi32, #tpu.memory_space<vmem>>) semaphore(%run_scoped3A_139 : memref<!tpu.dma_semaphore, #tpu.memory_space<semaphore_mem>>) {add = true}
        %dma_wait3A = arith.constant 0 : i32
        %dma_wait3A_144 = tpu.memref_slice %arg9[%scan3A_138, %dma_wait3A] : memref<79x128xi32, #tpu.memory_space<vmem>> -> memref<1x128xi32, #tpu.memory_space<vmem>>
        %dma_wait3A_145 = tpu.memref_squeeze %dma_wait3A_144 : memref<1x128xi32, #tpu.memory_space<vmem>> -> memref<128xi32, #tpu.memory_space<vmem>>
        %dma_wait3A_146 = arith.constant 0 : i32
        %dma_wait3A_147 = tpu.memref_slice %arg13[%dma_wait3A_146] : memref<10240xf32, #tpu.memory_space<vmem_shared>> -> memref<10240xf32, #tpu.memory_space<vmem_shared>>
        tpu.wait_indirect_dma semaphore(%run_scoped3A_139 : memref<!tpu.dma_semaphore, #tpu.memory_space<semaphore_mem>>) src(%arg11 : memref<128xf32, #tpu.memory_space<vmem>>) dst(%dma_wait3A_147 : memref<10240xf32, #tpu.memory_space<vmem_shared>>)
        tpu.yield
      }) : () -> ()
    }
    %scan3A_86 = arith.constant 79 : i32
    %barrier3A_87 = arith.constant 0 : index
    tpu.barrier barrier_id(%barrier3A_87)
    %mul3A_88 = arith.constant 128 : i32
    %mul3A_89 = arith.muli %arg0, %mul3A_88 : i32
    "tpu.region"() ({
      %run_scoped3A_138 = tpu.sem_alloc : memref<!tpu.dma_semaphore, #tpu.memory_space<semaphore_mem>>
      %dma_start3A = tpu.memref_slice %arg5[%mul3A_0, %mul3A_89] : memref<10240x384xf32, #tpu.memory_space<hbm>> -> memref<640x128xf32, #tpu.memory_space<hbm>>
      %dma_start3A_139 = arith.constant 0 : i32
      %dma_start3A_140 = tpu.memref_slice %arg12[%mul3A_0, %dma_start3A_139] : memref<10240x128xf32, #tpu.memory_space<vmem_shared>> -> memref<640x128xf32, #tpu.memory_space<vmem_shared>>
      tpu.enqueue_dma source(%dma_start3A_140 : memref<640x128xf32, #tpu.memory_space<vmem_shared>>) target(%dma_start3A : memref<640x128xf32, #tpu.memory_space<hbm>>) target_semaphore(%run_scoped3A_138 : memref<!tpu.dma_semaphore, #tpu.memory_space<semaphore_mem>>)
      %dma_wait3A = tpu.memref_slice %arg5[%mul3A_0, %mul3A_89] : memref<10240x384xf32, #tpu.memory_space<hbm>> -> memref<640x128xf32, #tpu.memory_space<hbm>>
      %dma_wait3A_141 = arith.constant 0 : i32
      %dma_wait3A_142 = tpu.memref_slice %arg12[%mul3A_0, %dma_wait3A_141] : memref<10240x128xf32, #tpu.memory_space<vmem_shared>> -> memref<640x128xf32, #tpu.memory_space<vmem_shared>>
      tpu.wait_dma2 semaphore(%run_scoped3A_138 : memref<!tpu.dma_semaphore, #tpu.memory_space<semaphore_mem>>) src(%dma_wait3A_142 : memref<640x128xf32, #tpu.memory_space<vmem_shared>>) dst(%dma_wait3A : memref<640x128xf32, #tpu.memory_space<hbm>>)
      tpu.yield
    }) : () -> ()
    %eq3A = arith.constant 0 : i32
    %eq3A_90 = arith.cmpi eq, %arg0, %eq3A : i32
    %convert_element_type3A = arith.extui %eq3A_90 : i1 to i32
    %cond3A = arith.constant 0 : i32
    %cond3A_91 = arith.cmpi ne, %convert_element_type3A, %cond3A : i32
    scf.if %cond3A_91 {
      "tpu.region"() ({
        %run_scoped3A_138 = tpu.sem_alloc : memref<!tpu.dma_semaphore, #tpu.memory_space<semaphore_mem>>
        %dma_start3A = tpu.memref_slice %arg7[%mul3A_0] : memref<10240xf32, #tpu.memory_space<hbm>> -> memref<640xf32, #tpu.memory_space<hbm>>
        %dma_start3A_139 = tpu.memref_slice %arg13[%mul3A_0] : memref<10240xf32, #tpu.memory_space<vmem_shared>> -> memref<640xf32, #tpu.memory_space<vmem_shared>>
        tpu.enqueue_dma source(%dma_start3A_139 : memref<640xf32, #tpu.memory_space<vmem_shared>>) target(%dma_start3A : memref<640xf32, #tpu.memory_space<hbm>>) target_semaphore(%run_scoped3A_138 : memref<!tpu.dma_semaphore, #tpu.memory_space<semaphore_mem>>)
        %dma_wait3A = tpu.memref_slice %arg7[%mul3A_0] : memref<10240xf32, #tpu.memory_space<hbm>> -> memref<640xf32, #tpu.memory_space<hbm>>
        %dma_wait3A_140 = tpu.memref_slice %arg13[%mul3A_0] : memref<10240xf32, #tpu.memory_space<vmem_shared>> -> memref<640xf32, #tpu.memory_space<vmem_shared>>
        tpu.wait_dma2 semaphore(%run_scoped3A_138 : memref<!tpu.dma_semaphore, #tpu.memory_space<semaphore_mem>>) src(%dma_wait3A_140 : memref<640xf32, #tpu.memory_space<vmem_shared>>) dst(%dma_wait3A : memref<640xf32, #tpu.memory_space<hbm>>)
        tpu.yield
      }) : () -> ()
    } else {
    }
    %barrier3A_92 = arith.constant 0 : index
    tpu.barrier barrier_id(%barrier3A_92)
    %scan3A_93 = arith.constant 0 : i32
    %scan3A_94 = arith.constant 0 : i32
    %scan3A_95 = arith.constant 128 : i32
    %scan3A_96 = arith.addi %scan3A_94, %scan3A_95 : i32
    %scan3A_97 = arith.constant 1 : i32
    scf.for %scan3A_138 = %scan3A_94 to %scan3A_96 step %scan3A_97  : i32 {
      %broadcast_in_dim3A_139 = arith.constant 0.000000e+00 : f32
      %broadcast_in_dim3A_140 = vector.broadcast %broadcast_in_dim3A_139 : f32 to vector<16xf32>
      %swap3A_141 = arith.index_cast %scan3A_138 : i32 to index
      %swap3A_142 = arith.constant 0 : index
      %swap3A_143 = tpu.vector_load %arg10[%swap3A_141, %swap3A_142] {strides = array<i32>} : memref<128x128xf32, #tpu.memory_space<vmem>>, vector<1x16xf32>,
      %swap3A_144 = vector.shape_cast %swap3A_143 : vector<1x16xf32> to vector<16xf32>
      %swap3A_145 = vector.shape_cast %broadcast_in_dim3A_140 : vector<16xf32> to vector<1x16xf32>
      tpu.vector_store %arg10[%swap3A_141, %swap3A_142], %swap3A_145 {strides = array<i32>} : memref<128x128xf32, #tpu.memory_space<vmem>>, vector<1x16xf32>,
      %broadcast_in_dim3A_146 = arith.constant 0.000000e+00 : f32
      %broadcast_in_dim3A_147 = vector.broadcast %broadcast_in_dim3A_146 : f32 to vector<16xf32>
      %swap3A_148 = arith.index_cast %scan3A_138 : i32 to index
      %swap3A_149 = arith.constant 16 : index
      %swap3A_150 = tpu.vector_load %arg10[%swap3A_148, %swap3A_149] {strides = array<i32>} : memref<128x128xf32, #tpu.memory_space<vmem>>, vector<1x16xf32>,
      %swap3A_151 = vector.shape_cast %swap3A_150 : vector<1x16xf32> to vector<16xf32>
      %swap3A_152 = vector.shape_cast %broadcast_in_dim3A_147 : vector<16xf32> to vector<1x16xf32>
      tpu.vector_store %arg10[%swap3A_148, %swap3A_149], %swap3A_152 {strides = array<i32>} : memref<128x128xf32, #tpu.memory_space<vmem>>, vector<1x16xf32>,
      %broadcast_in_dim3A_153 = arith.constant 0.000000e+00 : f32
      %broadcast_in_dim3A_154 = vector.broadcast %broadcast_in_dim3A_153 : f32 to vector<16xf32>
      %swap3A_155 = arith.index_cast %scan3A_138 : i32 to index
      %swap3A_156 = arith.constant 32 : index
      %swap3A_157 = tpu.vector_load %arg10[%swap3A_155, %swap3A_156] {strides = array<i32>} : memref<128x128xf32, #tpu.memory_space<vmem>>, vector<1x16xf32>,
      %swap3A_158 = vector.shape_cast %swap3A_157 : vector<1x16xf32> to vector<16xf32>
      %swap3A_159 = vector.shape_cast %broadcast_in_dim3A_154 : vector<16xf32> to vector<1x16xf32>
      tpu.vector_store %arg10[%swap3A_155, %swap3A_156], %swap3A_159 {strides = array<i32>} : memref<128x128xf32, #tpu.memory_space<vmem>>, vector<1x16xf32>,
      %broadcast_in_dim3A_160 = arith.constant 0.000000e+00 : f32
      %broadcast_in_dim3A_161 = vector.broadcast %broadcast_in_dim3A_160 : f32 to vector<16xf32>
      %swap3A_162 = arith.index_cast %scan3A_138 : i32 to index
      %swap3A_163 = arith.constant 48 : index
      %swap3A_164 = tpu.vector_load %arg10[%swap3A_162, %swap3A_163] {strides = array<i32>} : memref<128x128xf32, #tpu.memory_space<vmem>>, vector<1x16xf32>,
      %swap3A_165 = vector.shape_cast %swap3A_164 : vector<1x16xf32> to vector<16xf32>
      %swap3A_166 = vector.shape_cast %broadcast_in_dim3A_161 : vector<16xf32> to vector<1x16xf32>
      tpu.vector_store %arg10[%swap3A_162, %swap3A_163], %swap3A_166 {strides = array<i32>} : memref<128x128xf32, #tpu.memory_space<vmem>>, vector<1x16xf32>,
      %broadcast_in_dim3A_167 = arith.constant 0.000000e+00 : f32
      %broadcast_in_dim3A_168 = vector.broadcast %broadcast_in_dim3A_167 : f32 to vector<16xf32>
      %swap3A_169 = arith.index_cast %scan3A_138 : i32 to index
      %swap3A_170 = arith.constant 64 : index
      %swap3A_171 = tpu.vector_load %arg10[%swap3A_169, %swap3A_170] {strides = array<i32>} : memref<128x128xf32, #tpu.memory_space<vmem>>, vector<1x16xf32>,
      %swap3A_172 = vector.shape_cast %swap3A_171 : vector<1x16xf32> to vector<16xf32>
      %swap3A_173 = vector.shape_cast %broadcast_in_dim3A_168 : vector<16xf32> to vector<1x16xf32>
      tpu.vector_store %arg10[%swap3A_169, %swap3A_170], %swap3A_173 {strides = array<i32>} : memref<128x128xf32, #tpu.memory_space<vmem>>, vector<1x16xf32>,
      %broadcast_in_dim3A_174 = arith.constant 0.000000e+00 : f32
      %broadcast_in_dim3A_175 = vector.broadcast %broadcast_in_dim3A_174 : f32 to vector<16xf32>
      %swap3A_176 = arith.index_cast %scan3A_138 : i32 to index
      %swap3A_177 = arith.constant 80 : index
      %swap3A_178 = tpu.vector_load %arg10[%swap3A_176, %swap3A_177] {strides = array<i32>} : memref<128x128xf32, #tpu.memory_space<vmem>>, vector<1x16xf32>,
      %swap3A_179 = vector.shape_cast %swap3A_178 : vector<1x16xf32> to vector<16xf32>
      %swap3A_180 = vector.shape_cast %broadcast_in_dim3A_175 : vector<16xf32> to vector<1x16xf32>
      tpu.vector_store %arg10[%swap3A_176, %swap3A_177], %swap3A_180 {strides = array<i32>} : memref<128x128xf32, #tpu.memory_space<vmem>>, vector<1x16xf32>,
      %broadcast_in_dim3A_181 = arith.constant 0.000000e+00 : f32
      %broadcast_in_dim3A_182 = vector.broadcast %broadcast_in_dim3A_181 : f32 to vector<16xf32>
      %swap3A_183 = arith.index_cast %scan3A_138 : i32 to index
      %swap3A_184 = arith.constant 96 : index
      %swap3A_185 = tpu.vector_load %arg10[%swap3A_183, %swap3A_184] {strides = array<i32>} : memref<128x128xf32, #tpu.memory_space<vmem>>, vector<1x16xf32>,
      %swap3A_186 = vector.shape_cast %swap3A_185 : vector<1x16xf32> to vector<16xf32>
      %swap3A_187 = vector.shape_cast %broadcast_in_dim3A_182 : vector<16xf32> to vector<1x16xf32>
      tpu.vector_store %arg10[%swap3A_183, %swap3A_184], %swap3A_187 {strides = array<i32>} : memref<128x128xf32, #tpu.memory_space<vmem>>, vector<1x16xf32>,
      %broadcast_in_dim3A_188 = arith.constant 0.000000e+00 : f32
      %broadcast_in_dim3A_189 = vector.broadcast %broadcast_in_dim3A_188 : f32 to vector<16xf32>
      %swap3A_190 = arith.index_cast %scan3A_138 : i32 to index
      %swap3A_191 = arith.constant 112 : index
      %swap3A_192 = tpu.vector_load %arg10[%swap3A_190, %swap3A_191] {strides = array<i32>} : memref<128x128xf32, #tpu.memory_space<vmem>>, vector<1x16xf32>,
      %swap3A_193 = vector.shape_cast %swap3A_192 : vector<1x16xf32> to vector<16xf32>
      %swap3A_194 = vector.shape_cast %broadcast_in_dim3A_189 : vector<16xf32> to vector<1x16xf32>
      tpu.vector_store %arg10[%swap3A_190, %swap3A_191], %swap3A_194 {strides = array<i32>} : memref<128x128xf32, #tpu.memory_space<vmem>>, vector<1x16xf32>,
    }
    %scan3A_98 = arith.constant 128 : i32
    %add3A_99 = arith.constant 0 : i32
    %add3A_100 = arith.addi %mul3A_0, %add3A_99 : i32
    "tpu.region"() ({
      %run_scoped3A_138 = tpu.sem_alloc : memref<!tpu.dma_semaphore, #tpu.memory_space<semaphore_mem>>
      %dma_start3A = arith.constant 0 : i32
      %dma_start3A_139 = tpu.memref_slice %arg12[%add3A_100, %dma_start3A] : memref<10240x128xf32, #tpu.memory_space<vmem_shared>> -> memref<128x128xf32, #tpu.memory_space<vmem_shared>>
      %dma_start3A_140 = arith.constant 0 : i32
      %dma_start3A_141 = tpu.memref_slice %arg12[%add3A_100, %dma_start3A_140] : memref<10240x128xf32, #tpu.memory_space<vmem_shared>> -> memref<128x128xf32, #tpu.memory_space<vmem_shared>>
      tpu.enqueue_dma source(%arg10 : memref<128x128xf32, #tpu.memory_space<vmem>>) target(%dma_start3A_141 : memref<128x128xf32, #tpu.memory_space<vmem_shared>>) target_semaphore(%run_scoped3A_138 : memref<!tpu.dma_semaphore, #tpu.memory_space<semaphore_mem>>)
      %dma_wait3A = arith.constant 0 : i32
      %dma_wait3A_142 = tpu.memref_slice %arg12[%add3A_100, %dma_wait3A] : memref<10240x128xf32, #tpu.memory_space<vmem_shared>> -> memref<128x128xf32, #tpu.memory_space<vmem_shared>>
      %dma_wait3A_143 = arith.constant 0 : i32
      %dma_wait3A_144 = tpu.memref_slice %arg12[%add3A_100, %dma_wait3A_143] : memref<10240x128xf32, #tpu.memory_space<vmem_shared>> -> memref<128x128xf32, #tpu.memory_space<vmem_shared>>
      tpu.wait_dma2 semaphore(%run_scoped3A_138 : memref<!tpu.dma_semaphore, #tpu.memory_space<semaphore_mem>>) src(%arg10 : memref<128x128xf32, #tpu.memory_space<vmem>>) dst(%dma_wait3A_144 : memref<128x128xf32, #tpu.memory_space<vmem_shared>>)
      tpu.yield
    }) : () -> ()
    %add3A_101 = arith.constant 128 : i32
    %add3A_102 = arith.addi %mul3A_0, %add3A_101 : i32
    "tpu.region"() ({
      %run_scoped3A_138 = tpu.sem_alloc : memref<!tpu.dma_semaphore, #tpu.memory_space<semaphore_mem>>
      %dma_start3A = arith.constant 0 : i32
      %dma_start3A_139 = tpu.memref_slice %arg12[%add3A_102, %dma_start3A] : memref<10240x128xf32, #tpu.memory_space<vmem_shared>> -> memref<128x128xf32, #tpu.memory_space<vmem_shared>>
      %dma_start3A_140 = arith.constant 0 : i32
      %dma_start3A_141 = tpu.memref_slice %arg12[%add3A_102, %dma_start3A_140] : memref<10240x128xf32, #tpu.memory_space<vmem_shared>> -> memref<128x128xf32, #tpu.memory_space<vmem_shared>>
      tpu.enqueue_dma source(%arg10 : memref<128x128xf32, #tpu.memory_space<vmem>>) target(%dma_start3A_141 : memref<128x128xf32, #tpu.memory_space<vmem_shared>>) target_semaphore(%run_scoped3A_138 : memref<!tpu.dma_semaphore, #tpu.memory_space<semaphore_mem>>)
      %dma_wait3A = arith.constant 0 : i32
      %dma_wait3A_142 = tpu.memref_slice %arg12[%add3A_102, %dma_wait3A] : memref<10240x128xf32, #tpu.memory_space<vmem_shared>> -> memref<128x128xf32, #tpu.memory_space<vmem_shared>>
      %dma_wait3A_143 = arith.constant 0 : i32
      %dma_wait3A_144 = tpu.memref_slice %arg12[%add3A_102, %dma_wait3A_143] : memref<10240x128xf32, #tpu.memory_space<vmem_shared>> -> memref<128x128xf32, #tpu.memory_space<vmem_shared>>
      tpu.wait_dma2 semaphore(%run_scoped3A_138 : memref<!tpu.dma_semaphore, #tpu.memory_space<semaphore_mem>>) src(%arg10 : memref<128x128xf32, #tpu.memory_space<vmem>>) dst(%dma_wait3A_144 : memref<128x128xf32, #tpu.memory_space<vmem_shared>>)
      tpu.yield
    }) : () -> ()
    %add3A_103 = arith.constant 256 : i32
    %add3A_104 = arith.addi %mul3A_0, %add3A_103 : i32
    "tpu.region"() ({
      %run_scoped3A_138 = tpu.sem_alloc : memref<!tpu.dma_semaphore, #tpu.memory_space<semaphore_mem>>
      %dma_start3A = arith.constant 0 : i32
      %dma_start3A_139 = tpu.memref_slice %arg12[%add3A_104, %dma_start3A] : memref<10240x128xf32, #tpu.memory_space<vmem_shared>> -> memref<128x128xf32, #tpu.memory_space<vmem_shared>>
      %dma_start3A_140 = arith.constant 0 : i32
      %dma_start3A_141 = tpu.memref_slice %arg12[%add3A_104, %dma_start3A_140] : memref<10240x128xf32, #tpu.memory_space<vmem_shared>> -> memref<128x128xf32, #tpu.memory_space<vmem_shared>>
      tpu.enqueue_dma source(%arg10 : memref<128x128xf32, #tpu.memory_space<vmem>>) target(%dma_start3A_141 : memref<128x128xf32, #tpu.memory_space<vmem_shared>>) target_semaphore(%run_scoped3A_138 : memref<!tpu.dma_semaphore, #tpu.memory_space<semaphore_mem>>)
      %dma_wait3A = arith.constant 0 : i32
      %dma_wait3A_142 = tpu.memref_slice %arg12[%add3A_104, %dma_wait3A] : memref<10240x128xf32, #tpu.memory_space<vmem_shared>> -> memref<128x128xf32, #tpu.memory_space<vmem_shared>>
      %dma_wait3A_143 = arith.constant 0 : i32
      %dma_wait3A_144 = tpu.memref_slice %arg12[%add3A_104, %dma_wait3A_143] : memref<10240x128xf32, #tpu.memory_space<vmem_shared>> -> memref<128x128xf32, #tpu.memory_space<vmem_shared>>
      tpu.wait_dma2 semaphore(%run_scoped3A_138 : memref<!tpu.dma_semaphore, #tpu.memory_space<semaphore_mem>>) src(%arg10 : memref<128x128xf32, #tpu.memory_space<vmem>>) dst(%dma_wait3A_144 : memref<128x128xf32, #tpu.memory_space<vmem_shared>>)
      tpu.yield
    }) : () -> ()
    %add3A_105 = arith.constant 384 : i32
    %add3A_106 = arith.addi %mul3A_0, %add3A_105 : i32
    "tpu.region"() ({
      %run_scoped3A_138 = tpu.sem_alloc : memref<!tpu.dma_semaphore, #tpu.memory_space<semaphore_mem>>
      %dma_start3A = arith.constant 0 : i32
      %dma_start3A_139 = tpu.memref_slice %arg12[%add3A_106, %dma_start3A] : memref<10240x128xf32, #tpu.memory_space<vmem_shared>> -> memref<128x128xf32, #tpu.memory_space<vmem_shared>>
      %dma_start3A_140 = arith.constant 0 : i32
      %dma_start3A_141 = tpu.memref_slice %arg12[%add3A_106, %dma_start3A_140] : memref<10240x128xf32, #tpu.memory_space<vmem_shared>> -> memref<128x128xf32, #tpu.memory_space<vmem_shared>>
      tpu.enqueue_dma source(%arg10 : memref<128x128xf32, #tpu.memory_space<vmem>>) target(%dma_start3A_141 : memref<128x128xf32, #tpu.memory_space<vmem_shared>>) target_semaphore(%run_scoped3A_138 : memref<!tpu.dma_semaphore, #tpu.memory_space<semaphore_mem>>)
      %dma_wait3A = arith.constant 0 : i32
      %dma_wait3A_142 = tpu.memref_slice %arg12[%add3A_106, %dma_wait3A] : memref<10240x128xf32, #tpu.memory_space<vmem_shared>> -> memref<128x128xf32, #tpu.memory_space<vmem_shared>>
      %dma_wait3A_143 = arith.constant 0 : i32
      %dma_wait3A_144 = tpu.memref_slice %arg12[%add3A_106, %dma_wait3A_143] : memref<10240x128xf32, #tpu.memory_space<vmem_shared>> -> memref<128x128xf32, #tpu.memory_space<vmem_shared>>
      tpu.wait_dma2 semaphore(%run_scoped3A_138 : memref<!tpu.dma_semaphore, #tpu.memory_space<semaphore_mem>>) src(%arg10 : memref<128x128xf32, #tpu.memory_space<vmem>>) dst(%dma_wait3A_144 : memref<128x128xf32, #tpu.memory_space<vmem_shared>>)
      tpu.yield
    }) : () -> ()
    %add3A_107 = arith.constant 512 : i32
    %add3A_108 = arith.addi %mul3A_0, %add3A_107 : i32
    "tpu.region"() ({
      %run_scoped3A_138 = tpu.sem_alloc : memref<!tpu.dma_semaphore, #tpu.memory_space<semaphore_mem>>
      %dma_start3A = arith.constant 0 : i32
      %dma_start3A_139 = tpu.memref_slice %arg12[%add3A_108, %dma_start3A] : memref<10240x128xf32, #tpu.memory_space<vmem_shared>> -> memref<128x128xf32, #tpu.memory_space<vmem_shared>>
      %dma_start3A_140 = arith.constant 0 : i32
      %dma_start3A_141 = tpu.memref_slice %arg12[%add3A_108, %dma_start3A_140] : memref<10240x128xf32, #tpu.memory_space<vmem_shared>> -> memref<128x128xf32, #tpu.memory_space<vmem_shared>>
      tpu.enqueue_dma source(%arg10 : memref<128x128xf32, #tpu.memory_space<vmem>>) target(%dma_start3A_141 : memref<128x128xf32, #tpu.memory_space<vmem_shared>>) target_semaphore(%run_scoped3A_138 : memref<!tpu.dma_semaphore, #tpu.memory_space<semaphore_mem>>)
      %dma_wait3A = arith.constant 0 : i32
      %dma_wait3A_142 = tpu.memref_slice %arg12[%add3A_108, %dma_wait3A] : memref<10240x128xf32, #tpu.memory_space<vmem_shared>> -> memref<128x128xf32, #tpu.memory_space<vmem_shared>>
      %dma_wait3A_143 = arith.constant 0 : i32
      %dma_wait3A_144 = tpu.memref_slice %arg12[%add3A_108, %dma_wait3A_143] : memref<10240x128xf32, #tpu.memory_space<vmem_shared>> -> memref<128x128xf32, #tpu.memory_space<vmem_shared>>
      tpu.wait_dma2 semaphore(%run_scoped3A_138 : memref<!tpu.dma_semaphore, #tpu.memory_space<semaphore_mem>>) src(%arg10 : memref<128x128xf32, #tpu.memory_space<vmem>>) dst(%dma_wait3A_144 : memref<128x128xf32, #tpu.memory_space<vmem_shared>>)
      tpu.yield
    }) : () -> ()
    %run_scoped3A_109 = arith.constant 2 : i32
    "tpu.region"() ({
      %run_scoped3A_138 = tpu.sem_alloc : memref<!tpu.dma_semaphore, #tpu.memory_space<semaphore_mem>>
      %dma_start3A = arith.constant 0 : i32
      %dma_start3A_139 = arith.constant 0 : i32
      %dma_start3A_140 = tpu.memref_slice %arg3[%run_scoped3A_109, %arg1, %dma_start3A, %dma_start3A_139] : memref<3x16x79x128xi32, #tpu.memory_space<hbm>> -> memref<1x1x79x128xi32, #tpu.memory_space<hbm>>
      %dma_start3A_141 = tpu.memref_squeeze %dma_start3A_140 : memref<1x1x79x128xi32, #tpu.memory_space<hbm>> -> memref<79x128xi32, #tpu.memory_space<hbm>>
      %dma_start3A_142 = arith.constant 0 : i32
      %dma_start3A_143 = arith.constant 0 : i32
      %dma_start3A_144 = tpu.memref_slice %arg3[%run_scoped3A_109, %arg1, %dma_start3A_142, %dma_start3A_143] : memref<3x16x79x128xi32, #tpu.memory_space<hbm>> -> memref<1x1x79x128xi32, #tpu.memory_space<hbm>>
      %dma_start3A_145 = tpu.memref_squeeze %dma_start3A_144 : memref<1x1x79x128xi32, #tpu.memory_space<hbm>> -> memref<79x128xi32, #tpu.memory_space<hbm>>
      tpu.enqueue_dma source(%dma_start3A_145 : memref<79x128xi32, #tpu.memory_space<hbm>>) target(%arg8 : memref<79x128xi32, #tpu.memory_space<vmem>>) target_semaphore(%run_scoped3A_138 : memref<!tpu.dma_semaphore, #tpu.memory_space<semaphore_mem>>)
      %dma_wait3A = arith.constant 0 : i32
      %dma_wait3A_146 = arith.constant 0 : i32
      %dma_wait3A_147 = tpu.memref_slice %arg3[%run_scoped3A_109, %arg1, %dma_wait3A, %dma_wait3A_146] : memref<3x16x79x128xi32, #tpu.memory_space<hbm>> -> memref<1x1x79x128xi32, #tpu.memory_space<hbm>>
      %dma_wait3A_148 = tpu.memref_squeeze %dma_wait3A_147 : memref<1x1x79x128xi32, #tpu.memory_space<hbm>> -> memref<79x128xi32, #tpu.memory_space<hbm>>
      %dma_wait3A_149 = arith.constant 0 : i32
      %dma_wait3A_150 = arith.constant 0 : i32
      %dma_wait3A_151 = tpu.memref_slice %arg3[%run_scoped3A_109, %arg1, %dma_wait3A_149, %dma_wait3A_150] : memref<3x16x79x128xi32, #tpu.memory_space<hbm>> -> memref<1x1x79x128xi32, #tpu.memory_space<hbm>>
      %dma_wait3A_152 = tpu.memref_squeeze %dma_wait3A_151 : memref<1x1x79x128xi32, #tpu.memory_space<hbm>> -> memref<79x128xi32, #tpu.memory_space<hbm>>
      tpu.wait_dma2 semaphore(%run_scoped3A_138 : memref<!tpu.dma_semaphore, #tpu.memory_space<semaphore_mem>>) src(%dma_wait3A_152 : memref<79x128xi32, #tpu.memory_space<hbm>>) dst(%arg8 : memref<79x128xi32, #tpu.memory_space<vmem>>)
      tpu.yield
    }) : () -> ()
    %barrier3A_110 = arith.constant 0 : index
    tpu.barrier barrier_id(%barrier3A_110)
    %eq3A_111 = arith.constant 0 : i32
    %eq3A_112 = arith.cmpi eq, %arg0, %eq3A_111 : i32
    %jit3A = arith.constant 0 : i32
    %jit3A_113 = arith.constant 40 : i32
    %select_n3A = arith.select %eq3A_112, %jit3A, %jit3A_113 : i32
    %eq3A_114 = arith.constant 0 : i32
    %eq3A_115 = arith.cmpi eq, %arg0, %eq3A_114 : i32
    %jit3A_116 = arith.constant 40 : i32
    %jit3A_117 = arith.constant 79 : i32
    %select_n3A_118 = arith.select %eq3A_115, %jit3A_116, %jit3A_117 : i32
    %while3A = arith.constant 0 : i32
    %while3A_119 = arith.subi %select_n3A_118, %select_n3A : i32
    %while3A_120 = arith.addi %select_n3A, %while3A_119 : i32
    %while3A_121 = arith.constant 1 : i32
    %while3A_122 = arith.divsi %while3A_119, %while3A_121 : i32
    %while3A_123 = arith.muli %while3A_122, %while3A_121 : i32
    %while3A_124 = arith.addi %select_n3A, %while3A_123 : i32
    %while3A_125 = arith.constant 1 : i32
    scf.for %while3A_138 = %select_n3A to %while3A_124 step %while3A_125  : i32 {
      %dma_start3A = arith.constant 0 : i32
      %dma_start3A_139 = tpu.memref_slice %arg8[%while3A_138, %dma_start3A] : memref<79x128xi32, #tpu.memory_space<vmem>> -> memref<1x128xi32, #tpu.memory_space<vmem>>
      %dma_start3A_140 = tpu.memref_squeeze %dma_start3A_139 : memref<1x128xi32, #tpu.memory_space<vmem>> -> memref<128xi32, #tpu.memory_space<vmem>>
      %dma_start3A_141 = arith.constant 0 : i32
      %dma_start3A_142 = arith.constant 0 : i32
      %dma_start3A_143 = tpu.memref_slice %arg2[%dma_start3A_141, %dma_start3A_142] : memref<6000x128xf32, #tpu.memory_space<hbm>> -> memref<6000x128xf32, #tpu.memory_space<hbm>>
      tpu.enqueue_indirect_dma source(%dma_start3A_143 : memref<6000x128xf32, #tpu.memory_space<hbm>>) target(%arg10 : memref<128x128xf32, #tpu.memory_space<vmem>>) offsets(%dma_start3A_140 : memref<128xi32, #tpu.memory_space<vmem>>) semaphore(%arg14 : memref<!tpu.dma_semaphore, #tpu.memory_space<semaphore_mem>>)
      %dma_wait3A = arith.constant 0 : i32
      %dma_wait3A_144 = tpu.memref_slice %arg8[%while3A_138, %dma_wait3A] : memref<79x128xi32, #tpu.memory_space<vmem>> -> memref<1x128xi32, #tpu.memory_space<vmem>>
      %dma_wait3A_145 = tpu.memref_squeeze %dma_wait3A_144 : memref<1x128xi32, #tpu.memory_space<vmem>> -> memref<128xi32, #tpu.memory_space<vmem>>
      %dma_wait3A_146 = arith.constant 0 : i32
      %dma_wait3A_147 = arith.constant 0 : i32
      %dma_wait3A_148 = tpu.memref_slice %arg2[%dma_wait3A_146, %dma_wait3A_147] : memref<6000x128xf32, #tpu.memory_space<hbm>> -> memref<6000x128xf32, #tpu.memory_space<hbm>>
      tpu.wait_indirect_dma semaphore(%arg14 : memref<!tpu.dma_semaphore, #tpu.memory_space<semaphore_mem>>) src(%dma_wait3A_148 : memref<6000x128xf32, #tpu.memory_space<hbm>>) dst(%arg10 : memref<128x128xf32, #tpu.memory_space<vmem>>)
      "tpu.region"() ({
        %run_scoped3A_149 = tpu.sem_alloc : memref<!tpu.dma_semaphore, #tpu.memory_space<semaphore_mem>>
        %dma_start3A_150 = arith.constant 0 : i32
        %dma_start3A_151 = tpu.memref_slice %arg9[%while3A_138, %dma_start3A_150] : memref<79x128xi32, #tpu.memory_space<vmem>> -> memref<1x128xi32, #tpu.memory_space<vmem>>
        %dma_start3A_152 = tpu.memref_squeeze %dma_start3A_151 : memref<1x128xi32, #tpu.memory_space<vmem>> -> memref<128xi32, #tpu.memory_space<vmem>>
        %dma_start3A_153 = arith.constant 0 : i32
        %dma_start3A_154 = arith.constant 0 : i32
        %dma_start3A_155 = tpu.memref_slice %arg12[%dma_start3A_153, %dma_start3A_154] : memref<10240x128xf32, #tpu.memory_space<vmem_shared>> -> memref<10240x128xf32, #tpu.memory_space<vmem_shared>>
        tpu.enqueue_indirect_dma source(%arg10 : memref<128x128xf32, #tpu.memory_space<vmem>>) target(%dma_start3A_155 : memref<10240x128xf32, #tpu.memory_space<vmem_shared>>) offsets(%dma_start3A_152 : memref<128xi32, #tpu.memory_space<vmem>>) semaphore(%run_scoped3A_149 : memref<!tpu.dma_semaphore, #tpu.memory_space<semaphore_mem>>) {add = true}
        %dma_wait3A_156 = arith.constant 0 : i32
        %dma_wait3A_157 = tpu.memref_slice %arg9[%while3A_138, %dma_wait3A_156] : memref<79x128xi32, #tpu.memory_space<vmem>> -> memref<1x128xi32, #tpu.memory_space<vmem>>
        %dma_wait3A_158 = tpu.memref_squeeze %dma_wait3A_157 : memref<1x128xi32, #tpu.memory_space<vmem>> -> memref<128xi32, #tpu.memory_space<vmem>>
        %dma_wait3A_159 = arith.constant 0 : i32
        %dma_wait3A_160 = arith.constant 0 : i32
        %dma_wait3A_161 = tpu.memref_slice %arg12[%dma_wait3A_159, %dma_wait3A_160] : memref<10240x128xf32, #tpu.memory_space<vmem_shared>> -> memref<10240x128xf32, #tpu.memory_space<vmem_shared>>
        tpu.wait_indirect_dma semaphore(%run_scoped3A_149 : memref<!tpu.dma_semaphore, #tpu.memory_space<semaphore_mem>>) src(%arg10 : memref<128x128xf32, #tpu.memory_space<vmem>>) dst(%dma_wait3A_161 : memref<10240x128xf32, #tpu.memory_space<vmem_shared>>)
        tpu.yield
      }) : () -> ()
    }
    %while3A_126 = arith.constant 1 : i32
    scf.for %while3A_138 = %while3A_124 to %while3A_120 step %while3A_126  : i32 {
      %dma_start3A = arith.constant 0 : i32
      %dma_start3A_139 = tpu.memref_slice %arg8[%while3A_138, %dma_start3A] : memref<79x128xi32, #tpu.memory_space<vmem>> -> memref<1x128xi32, #tpu.memory_space<vmem>>
      %dma_start3A_140 = tpu.memref_squeeze %dma_start3A_139 : memref<1x128xi32, #tpu.memory_space<vmem>> -> memref<128xi32, #tpu.memory_space<vmem>>
      %dma_start3A_141 = arith.constant 0 : i32
      %dma_start3A_142 = arith.constant 0 : i32
      %dma_start3A_143 = tpu.memref_slice %arg2[%dma_start3A_141, %dma_start3A_142] : memref<6000x128xf32, #tpu.memory_space<hbm>> -> memref<6000x128xf32, #tpu.memory_space<hbm>>
      tpu.enqueue_indirect_dma source(%dma_start3A_143 : memref<6000x128xf32, #tpu.memory_space<hbm>>) target(%arg10 : memref<128x128xf32, #tpu.memory_space<vmem>>) offsets(%dma_start3A_140 : memref<128xi32, #tpu.memory_space<vmem>>) semaphore(%arg14 : memref<!tpu.dma_semaphore, #tpu.memory_space<semaphore_mem>>)
      %dma_wait3A = arith.constant 0 : i32
      %dma_wait3A_144 = tpu.memref_slice %arg8[%while3A_138, %dma_wait3A] : memref<79x128xi32, #tpu.memory_space<vmem>> -> memref<1x128xi32, #tpu.memory_space<vmem>>
      %dma_wait3A_145 = tpu.memref_squeeze %dma_wait3A_144 : memref<1x128xi32, #tpu.memory_space<vmem>> -> memref<128xi32, #tpu.memory_space<vmem>>
      %dma_wait3A_146 = arith.constant 0 : i32
      %dma_wait3A_147 = arith.constant 0 : i32
      %dma_wait3A_148 = tpu.memref_slice %arg2[%dma_wait3A_146, %dma_wait3A_147] : memref<6000x128xf32, #tpu.memory_space<hbm>> -> memref<6000x128xf32, #tpu.memory_space<hbm>>
      tpu.wait_indirect_dma semaphore(%arg14 : memref<!tpu.dma_semaphore, #tpu.memory_space<semaphore_mem>>) src(%dma_wait3A_148 : memref<6000x128xf32, #tpu.memory_space<hbm>>) dst(%arg10 : memref<128x128xf32, #tpu.memory_space<vmem>>)
      "tpu.region"() ({
        %run_scoped3A_149 = tpu.sem_alloc : memref<!tpu.dma_semaphore, #tpu.memory_space<semaphore_mem>>
        %dma_start3A_150 = arith.constant 0 : i32
        %dma_start3A_151 = tpu.memref_slice %arg9[%while3A_138, %dma_start3A_150] : memref<79x128xi32, #tpu.memory_space<vmem>> -> memref<1x128xi32, #tpu.memory_space<vmem>>
        %dma_start3A_152 = tpu.memref_squeeze %dma_start3A_151 : memref<1x128xi32, #tpu.memory_space<vmem>> -> memref<128xi32, #tpu.memory_space<vmem>>
        %dma_start3A_153 = arith.constant 0 : i32
        %dma_start3A_154 = arith.constant 0 : i32
        %dma_start3A_155 = tpu.memref_slice %arg12[%dma_start3A_153, %dma_start3A_154] : memref<10240x128xf32, #tpu.memory_space<vmem_shared>> -> memref<10240x128xf32, #tpu.memory_space<vmem_shared>>
        tpu.enqueue_indirect_dma source(%arg10 : memref<128x128xf32, #tpu.memory_space<vmem>>) target(%dma_start3A_155 : memref<10240x128xf32, #tpu.memory_space<vmem_shared>>) offsets(%dma_start3A_152 : memref<128xi32, #tpu.memory_space<vmem>>) semaphore(%run_scoped3A_149 : memref<!tpu.dma_semaphore, #tpu.memory_space<semaphore_mem>>) {add = true}
        %dma_wait3A_156 = arith.constant 0 : i32
        %dma_wait3A_157 = tpu.memref_slice %arg9[%while3A_138, %dma_wait3A_156] : memref<79x128xi32, #tpu.memory_space<vmem>> -> memref<1x128xi32, #tpu.memory_space<vmem>>
        %dma_wait3A_158 = tpu.memref_squeeze %dma_wait3A_157 : memref<1x128xi32, #tpu.memory_space<vmem>> -> memref<128xi32, #tpu.memory_space<vmem>>
        %dma_wait3A_159 = arith.constant 0 : i32
        %dma_wait3A_160 = arith.constant 0 : i32
        %dma_wait3A_161 = tpu.memref_slice %arg12[%dma_wait3A_159, %dma_wait3A_160] : memref<10240x128xf32, #tpu.memory_space<vmem_shared>> -> memref<10240x128xf32, #tpu.memory_space<vmem_shared>>
        tpu.wait_indirect_dma semaphore(%run_scoped3A_149 : memref<!tpu.dma_semaphore, #tpu.memory_space<semaphore_mem>>) src(%arg10 : memref<128x128xf32, #tpu.memory_space<vmem>>) dst(%dma_wait3A_161 : memref<10240x128xf32, #tpu.memory_space<vmem_shared>>)
        tpu.yield
      }) : () -> ()
    }
    %barrier3A_127 = arith.constant 0 : index
    tpu.barrier barrier_id(%barrier3A_127)
    %eq3A_128 = arith.constant 0 : i32
    %eq3A_129 = arith.cmpi eq, %arg0, %eq3A_128 : i32
    %convert_element_type3A_130 = arith.extui %eq3A_129 : i1 to i32
    %cond3A_131 = arith.constant 0 : i32
    %cond3A_132 = arith.cmpi ne, %convert_element_type3A_130, %cond3A_131 : i32
    scf.if %cond3A_132 {
      "tpu.region"() ({
        %run_scoped3A_138 = tpu.sem_alloc : memref<!tpu.dma_semaphore, #tpu.memory_space<semaphore_mem>>
        %dma_start3A = arith.constant 256 : i32
        %dma_start3A_139 = tpu.memref_slice %arg5[%mul3A_0, %dma_start3A] : memref<10240x384xf32, #tpu.memory_space<hbm>> -> memref<640x128xf32, #tpu.memory_space<hbm>>
        %dma_start3A_140 = arith.constant 0 : i32
        %dma_start3A_141 = tpu.memref_slice %arg12[%mul3A_0, %dma_start3A_140] : memref<10240x128xf32, #tpu.memory_space<vmem_shared>> -> memref<640x128xf32, #tpu.memory_space<vmem_shared>>
        tpu.enqueue_dma source(%dma_start3A_141 : memref<640x128xf32, #tpu.memory_space<vmem_shared>>) target(%dma_start3A_139 : memref<640x128xf32, #tpu.memory_space<hbm>>) target_semaphore(%run_scoped3A_138 : memref<!tpu.dma_semaphore, #tpu.memory_space<semaphore_mem>>)
        %dma_wait3A = arith.constant 256 : i32
        %dma_wait3A_142 = tpu.memref_slice %arg5[%mul3A_0, %dma_wait3A] : memref<10240x384xf32, #tpu.memory_space<hbm>> -> memref<640x128xf32, #tpu.memory_space<hbm>>
        %dma_wait3A_143 = arith.constant 0 : i32
        %dma_wait3A_144 = tpu.memref_slice %arg12[%mul3A_0, %dma_wait3A_143] : memref<10240x128xf32, #tpu.memory_space<vmem_shared>> -> memref<640x128xf32, #tpu.memory_space<vmem_shared>>
        tpu.wait_dma2 semaphore(%run_scoped3A_138 : memref<!tpu.dma_semaphore, #tpu.memory_space<semaphore_mem>>) src(%dma_wait3A_144 : memref<640x128xf32, #tpu.memory_space<vmem_shared>>) dst(%dma_wait3A_142 : memref<640x128xf32, #tpu.memory_space<hbm>>)
        tpu.yield
      }) : () -> ()
    } else {
    }
    %eq3A_133 = arith.constant 1 : i32
    %eq3A_134 = arith.cmpi eq, %arg0, %eq3A_133 : i32
    %convert_element_type3A_135 = arith.extui %eq3A_134 : i1 to i32
    %cond3A_136 = arith.constant 0 : i32
    %cond3A_137 = arith.cmpi ne, %convert_element_type3A_135, %cond3A_136 : i32
    scf.if %cond3A_137 {
      "tpu.region"() ({
        %run_scoped3A_138 = tpu.sem_alloc : memref<!tpu.dma_semaphore, #tpu.memory_space<semaphore_mem>>
        %dma_start3A = arith.constant 0 : i32
        %dma_start3A_139 = tpu.memref_slice %arg6[%mul3A_0, %dma_start3A] : memref<10240x128xf32, #tpu.memory_space<hbm>> -> memref<640x128xf32, #tpu.memory_space<hbm>>
        %dma_start3A_140 = arith.constant 0 : i32
        %dma_start3A_141 = tpu.memref_slice %arg12[%mul3A_0, %dma_start3A_140] : memref<10240x128xf32, #tpu.memory_space<vmem_shared>> -> memref<640x128xf32, #tpu.memory_space<vmem_shared>>
        tpu.enqueue_dma source(%dma_start3A_141 : memref<640x128xf32, #tpu.memory_space<vmem_shared>>) target(%dma_start3A_139 : memref<640x128xf32, #tpu.memory_space<hbm>>) target_semaphore(%run_scoped3A_138 : memref<!tpu.dma_semaphore, #tpu.memory_space<semaphore_mem>>)
        %dma_wait3A = arith.constant 0 : i32
        %dma_wait3A_142 = tpu.memref_slice %arg6[%mul3A_0, %dma_wait3A] : memref<10240x128xf32, #tpu.memory_space<hbm>> -> memref<640x128xf32, #tpu.memory_space<hbm>>
        %dma_wait3A_143 = arith.constant 0 : i32
        %dma_wait3A_144 = tpu.memref_slice %arg12[%mul3A_0, %dma_wait3A_143] : memref<10240x128xf32, #tpu.memory_space<vmem_shared>> -> memref<640x128xf32, #tpu.memory_space<vmem_shared>>
        tpu.wait_dma2 semaphore(%run_scoped3A_138 : memref<!tpu.dma_semaphore, #tpu.memory_space<semaphore_mem>>) src(%dma_wait3A_144 : memref<640x128xf32, #tpu.memory_space<vmem_shared>>) dst(%dma_wait3A_142 : memref<640x128xf32, #tpu.memory_space<hbm>>)
        tpu.yield
      }) : () -> ()
    } else {
    }
    return
  }
}

module attributes {stable_mosaic.version = 14 : i64} {
  func.func @_mlp_block(%arg0: i32, %arg1: i32, %arg2: memref<400x384xf32, #tpu.memory_space<vmem>>, %arg3: memref<400x128xf32, #tpu.memory_space<vmem>>, %arg4: memref<400x1xf32, #tpu.memory_space<vmem>>, %arg5: memref<1x400x192xf32, #tpu.memory_space<vmem>>, %arg6: memref<384x384xf32, #tpu.memory_space<vmem>>, %arg7: memref<1x384xf32, #tpu.memory_space<vmem>>, %arg8: memref<384x12xf32, #tpu.memory_space<vmem>>, %arg9: memref<1x12xf32, #tpu.memory_space<vmem>>, %arg10: memref<1x400x12xf32, #tpu.memory_space<vmem>>) attributes {dimension_semantics = [#tpu.dimension_semantics<arbitrary>, #tpu.dimension_semantics<arbitrary>], iteration_bounds = array<i64: 2, 25>, scalar_prefetch = 0 : i64, scratch_operands = 0 : i64, tpu.core_type = #tpu.core_type<tc>, window_params = [{transform_indices = @transform_0, window_bounds = array<i64: 400, 384>}, {transform_indices = @transform_1, window_bounds = array<i64: 400, 128>}, {transform_indices = @transform_2, window_bounds = array<i64: 400, 1>}, {transform_indices = @transform_3, window_bounds = array<i64: 1, 400, 192>}, {pipeline_mode = #tpu.pipeline_mode<synchronous>, transform_indices = @transform_4, window_bounds = array<i64: 384, 384>}, {pipeline_mode = #tpu.pipeline_mode<synchronous>, transform_indices = @transform_5, window_bounds = array<i64: 1, 384>}, {pipeline_mode = #tpu.pipeline_mode<synchronous>, transform_indices = @transform_6, window_bounds = array<i64: 384, 12>}, {pipeline_mode = #tpu.pipeline_mode<synchronous>, transform_indices = @transform_7, window_bounds = array<i64: 1, 12>}, {transform_indices = @transform_8, window_bounds = array<i64: 1, 400, 12>}]} {
    %get3A = arith.constant 0 : index
    %get3A_0 = arith.constant 0 : index
    %get3A_1 = vector.load %arg2[%get3A, %get3A_0] : memref<400x384xf32, #tpu.memory_space<vmem>>, vector<400x256xf32>
    %get3A_2 = arith.constant 0 : index
    %get3A_3 = arith.constant 256 : index
    %get3A_4 = vector.load %arg2[%get3A_2, %get3A_3] : memref<400x384xf32, #tpu.memory_space<vmem>>, vector<400x128xf32>
    %get3A_5 = arith.constant 0 : index
    %get3A_6 = arith.constant 0 : index
    %get3A_7 = vector.load %arg3[%get3A_5, %get3A_6] : memref<400x128xf32, #tpu.memory_space<vmem>>, vector<400x128xf32>
    %add3A = arith.addf %get3A_4, %get3A_7 : vector<400x128xf32>
    %concatenate3A = tpu.concatenate %get3A_1, %add3A in 1 : vector<400x256xf32>, vector<400x128xf32> -> vector<400x384xf32>
    %get3A_8 = arith.constant 0 : index
    %get3A_9 = arith.constant 0 : index
    %get3A_10 = vector.load %arg4[%get3A_8, %get3A_9] : memref<400x1xf32, #tpu.memory_space<vmem>>, vector<400x1xf32>
    %max3A = arith.constant 1.000000e+00 : f32
    %max3A_11 = vector.broadcast %max3A : f32 to vector<400x1xf32>
    %max3A_12 = arith.maximumf %get3A_10, %max3A_11 : vector<400x1xf32>
    %div3A = arith.constant 1.000000e+00 : f32
    %div3A_13 = vector.broadcast %div3A : f32 to vector<400x1xf32>
    %div3A_14 = arith.divf %div3A_13, %max3A_12 : vector<400x1xf32>
    %eq3A = arith.constant 0 : i32
    %eq3A_15 = arith.cmpi eq, %arg0, %eq3A : i32
    %slice3A = vector.extract_strided_slice %concatenate3A {offsets = [0, 0], sizes = [400, 192], strides = [1, 1]} : vector<400x384xf32> to vector<400x192xf32>
    %slice3A_16 = vector.extract_strided_slice %concatenate3A {offsets = [0, 192], sizes = [400, 192], strides = [1, 1]} : vector<400x384xf32> to vector<400x192xf32>
    %select_n3A = arith.select %eq3A_15, %slice3A, %slice3A_16 : vector<400x192xf32>
    %mul3A = vector.broadcast %div3A_14 : vector<400x1xf32> to vector<400x192xf32>
    %mul3A_17 = arith.mulf %select_n3A, %mul3A : vector<400x192xf32>
    %get3A_18 = arith.constant 0 : index
    %get3A_19 = arith.constant 0 : index
    %get3A_20 = arith.constant 0 : index
    %get3A_21 = vector.load %arg5[%get3A_18, %get3A_19, %get3A_20] : memref<1x400x192xf32, #tpu.memory_space<vmem>>, vector<1x400x192xf32>
    %get3A_22 = vector.shape_cast %get3A_21 : vector<1x400x192xf32> to vector<400x192xf32>
    %concatenate3A_23 = tpu.concatenate %get3A_22, %mul3A_17 in 1 : vector<400x192xf32>, vector<400x192xf32> -> vector<400x384xf32>
    %get3A_24 = arith.constant 0 : index
    %get3A_25 = arith.constant 0 : index
    %get3A_26 = vector.load %arg6[%get3A_24, %get3A_25] : memref<384x384xf32, #tpu.memory_space<vmem>>, vector<384x384xf32>
    %dot_general3A = arith.constant dense<0.000000e+00> : vector<400x384xf32>
    %dot_general3A_27 = tpu.matmul %concatenate3A_23, %get3A_26, %dot_general3A {dimension_numbers = #tpu.dot_dimension_numbers<[1], [0], [0], [1], [0, 0, 1, 1], [], []>, transpose_lhs_hint = false} : vector<400x384xf32>, vector<384x384xf32>, vector<400x384xf32> -> vector<400x384xf32>
    %get3A_28 = arith.constant 0 : index
    %get3A_29 = arith.constant 0 : index
    %get3A_30 = vector.load %arg7[%get3A_28, %get3A_29] : memref<1x384xf32, #tpu.memory_space<vmem>>, vector<1x384xf32>
    %add3A_31 = vector.broadcast %get3A_30 : vector<1x384xf32> to vector<400x384xf32>
    %add3A_32 = arith.addf %dot_general3A_27, %add3A_31 : vector<400x384xf32>
    %max3A_33 = arith.constant 0.000000e+00 : f32
    %max3A_34 = vector.broadcast %max3A_33 : f32 to vector<400x384xf32>
    %max3A_35 = arith.maximumf %add3A_32, %max3A_34 : vector<400x384xf32>
    %get3A_36 = arith.constant 0 : index
    %get3A_37 = arith.constant 0 : index
    %get3A_38 = vector.load %arg8[%get3A_36, %get3A_37] : memref<384x12xf32, #tpu.memory_space<vmem>>, vector<384x12xf32>
    %dot_general3A_39 = arith.constant dense<0.000000e+00> : vector<400x12xf32>
    %dot_general3A_40 = tpu.matmul %max3A_35, %get3A_38, %dot_general3A_39 {dimension_numbers = #tpu.dot_dimension_numbers<[1], [0], [0], [1], [0, 0, 1, 1], [], []>, transpose_lhs_hint = false} : vector<400x384xf32>, vector<384x12xf32>, vector<400x12xf32> -> vector<400x12xf32>
    %get3A_41 = arith.constant 0 : index
    %get3A_42 = arith.constant 0 : index
    %get3A_43 = vector.load %arg9[%get3A_41, %get3A_42] : memref<1x12xf32, #tpu.memory_space<vmem>>, vector<1x12xf32>
    %add3A_44 = vector.broadcast %get3A_43 : vector<1x12xf32> to vector<400x12xf32>
    %add3A_45 = arith.addf %dot_general3A_40, %add3A_44 : vector<400x12xf32>
    %swap3A = arith.constant 0 : index
    %swap3A_46 = arith.constant 0 : index
    %swap3A_47 = arith.constant 0 : index
    %swap3A_48 = vector.load %arg10[%swap3A, %swap3A_46, %swap3A_47] : memref<1x400x12xf32, #tpu.memory_space<vmem>>, vector<1x400x12xf32>
    %swap3A_49 = vector.shape_cast %swap3A_48 : vector<1x400x12xf32> to vector<400x12xf32>
    %swap3A_50 = vector.shape_cast %add3A_45 : vector<400x12xf32> to vector<1x400x12xf32>
    tpu.vector_store %arg10[%swap3A, %swap3A_46, %swap3A_47], %swap3A_50 {strides = array<i32>} : memref<1x400x12xf32, #tpu.memory_space<vmem>>, vector<1x400x12xf32>,
    return
  }
  func.func @transform_0(%arg0: i32, %arg1: i32) -> (i32, i32) {
    %c0_i32 = arith.constant 0 : i32
    %c0_i32_0 = arith.constant 0 : i32
    return %arg1, %c0_i32 : i32, i32
  }
  func.func @transform_1(%arg0: i32, %arg1: i32) -> (i32, i32) {
    %c0_i32 = arith.constant 0 : i32
    %c0_i32_0 = arith.constant 0 : i32
    return %arg1, %c0_i32 : i32, i32
  }
  func.func @transform_2(%arg0: i32, %arg1: i32) -> (i32, i32) {
    %c0_i32 = arith.constant 0 : i32
    %c0_i32_0 = arith.constant 0 : i32
    return %arg1, %c0_i32 : i32, i32
  }
  func.func @transform_3(%arg0: i32, %arg1: i32) -> (i32, i32, i32) {
    %c0_i32 = arith.constant 0 : i32
    %c0_i32_0 = arith.constant 0 : i32
    return %arg0, %arg1, %c0_i32 : i32, i32, i32
  }
  func.func @transform_4(%arg0: i32, %arg1: i32) -> (i32, i32) {
    %c0_i32 = arith.constant 0 : i32
    %c0_i32_0 = arith.constant 0 : i32
    %c0_i32_1 = arith.constant 0 : i32
    return %c0_i32, %c0_i32_0 : i32, i32
  }
  func.func @transform_5(%arg0: i32, %arg1: i32) -> (i32, i32) {
    %c0_i32 = arith.constant 0 : i32
    %c0_i32_0 = arith.constant 0 : i32
    %c0_i32_1 = arith.constant 0 : i32
    return %c0_i32, %c0_i32_0 : i32, i32
  }
  func.func @transform_6(%arg0: i32, %arg1: i32) -> (i32, i32) {
    %c0_i32 = arith.constant 0 : i32
    %c0_i32_0 = arith.constant 0 : i32
    %c0_i32_1 = arith.constant 0 : i32
    return %c0_i32, %c0_i32_0 : i32, i32
  }
  func.func @transform_7(%arg0: i32, %arg1: i32) -> (i32, i32) {
    %c0_i32 = arith.constant 0 : i32
    %c0_i32_0 = arith.constant 0 : i32
    %c0_i32_1 = arith.constant 0 : i32
    return %c0_i32, %c0_i32_0 : i32, i32
  }
  func.func @transform_8(%arg0: i32, %arg1: i32) -> (i32, i32, i32) {
    %c0_i32 = arith.constant 0 : i32
    %c0_i32_0 = arith.constant 0 : i32
    return %arg0, %arg1, %c0_i32 : i32, i32, i32
  }
}

</mosaic_0001>

<sc_bundles>
// kernel: kernel.4.cloned.1.call-start
scs
__scs_entry_jumppad:
0x0: {  	(pc) =	sbr.rel $0x88, $3  }
0x1: {  	(tag) =	ssettag $0x0;
	lr =	simm.s32 $0x1  }
0x2: {  	[smem:$0x3F99] =	sst lr;
	_ =	strace $0xD0000000  }
0x3: {  	_ = 	snop  }
0x4: {  	_ = 	snop  }
0x5: {  	_ = 	snop  }
0x6: {  	_ = 	snop  }
0x7: {  	_ = 	snop  }
__scs_overlays_trampoline_lowered:
0x8: {  	[smem:$0x3FA8] =	sst s0  }
0x9: {  	[smem:$0x3FA9] =	sst s1  }
0xa: {  	[smem:$0x3FAA] =	sst s2  }
0xb: {  	[smem:$0x3FAB] =	sst s3  }
0xc: {  	[smem:$0x3FAC] =	sst s4  }
0xd: {  	[smem:$0x3FAD] =	sst s5  }
0xe: {  	[smem:$0x3FAE] =	sst s6  }
0xf: {  	[smem:$0x3FAF] =	sst s7  }
0x10: {  	[smem:$0x3FB0] =	sst s8  }
0x11: {  	[smem:$0x3FB1] =	sst s9;
	s0 =	simm.s32 @!p0 $0x0  }
0x12: {  	s1 =	sld [smem:$0x3F97];
	s0 =	simm.s32 @p0 $0x1  }
0x13: {  	[smem:$0x3FB2] =	sst s0;
	s0 =	simm.s32 @!p1 $0x0  }
0x14: {  	s2 =	sld [smem:$0x3F96];
	s0 =	simm.s32 @p1 $0x1  }
0x15: {  	[smem:$0x3FB3] =	sst s0;
	s0 =	simm.s32 @!p2 $0x0  }
0x16: {  	s3 =	sld [smem:$0x3FDB];
	s0 =	simm.s32 @p2 $0x1  }
0x17: {  	s4 =	simm.s32 $0x1BF5;
	[smem:$0x3FB5] =	sst s0  }
0x18: {  	s0 =	sld [smem:$0x3F98];
	_ =	swait.ge [sflag:s4], $0x0  }
0x19: {  	s7 =	sld [smem:$0x3F99]  }
0x1a: {  	s8 =	sadd.s32 $0xFFFFE003, lr  }
0x1b: {  	s9 =	sadd.s32 $0xFFFFFEF7, lr;
	s5 =	simm.s32 $0xFFFFFFFF;
	p2 =	slt.u32 s8, $0xFFFFF086  }
0x1c: {  	p1 =	slt.u32 s9, $0xF7A;
	s5 =	simm.s32 @!p2 $0x0  }
0x1d: {  	s5 =	simm.s32 @p1 $0x1;
	p0 =	seq.s32 s7, s2  }
0x1e: {  	s7 =	smul.u32 @!p0 $0xF7A, s2;
	p2 =	seq.s32 @!p0 s5, $0x0  }
0x1f: {  	s9 =	smul.u32 $0xF7A, s1;
	s8 =	simm.s32 @!p0 $0x1BF5;
	p2 =	por !p2, p0  }
0x20: {  	[sflag:s8] =	ssyncset.s32 @!p0 $0xFFFFF086;
	s6 =	sadd.s32 @!p0 s3, s7;
	s7 =	simm.s32 @!p0 $0x108  }
0x21: {  	s3 =	sadd.s32 s3, s9;
	s6 =	sadd.s32 @!p0 $0x88, s6;
	s7 =	simm.s32 @p2 $0x1082  }
0x22: {  	[simem:s7], [sflag:s8] =	dma.local @!p0 [hbm:s6], $0xF7A  }
0x23: {  	s9 =	sor.u32 $0xD0000000, s2;
	s6 =	simm.s32 $0x108;
	_ =	swait.ge @!p0 [sflag:s8], $0x0  }
0x24: {  	s3 =	sadd.s32 $0x88, s3;
	s6 =	simm.s32 @!p1 $0x1082;
	[sflag:s4] =	ssyncset.s32 $0xFFFFF086  }
0x25: {  	[simem:s6], [sflag:s4] =	dma.local [hbm:s3], $0xF7A  }
0x26: {  	[smem:$0x3F99] =	sst s1;
	(tag) =	ssettag s2;
	_ =	strace s9  }
0x27: {  	s1 =	sld [smem:$0x3FA9]  }
0x28: {  	s2 =	sld [smem:$0x3FAA]  }
0x29: {  	s4 =	sld [smem:$0x3FAC]  }
0x2a: {  	p0 =	seq.s32 s5, $0x0;
	s5 =	sld [smem:$0x3FAD]  }
0x2b: {  	s6 =	sld [smem:$0x3FAE]  }
0x2c: {  	s7 =	sld [smem:$0x3FAF]  }
0x2d: {  	s3 =	simm.s32 $0x108;
	s8 =	sld [smem:$0x3FB0]  }
0x2e: {  	s3 =	simm.s32 @!p0 $0x1082;
	s9 =	sld [smem:$0x3FB1]  }
0x2f: {  	lr =	sadd.s32 s0, s3;
	s0 =	sld [smem:$0x3FA8]  }
0x30: {  	s3 =	sld [smem:$0x3FAB]  }
0x31: {  	[smem:$0x3FB4] =	sst s10  }
0x32: {  	s10 =	sld [smem:$0x3FB2];
	_ =	sdelay $0x3  }
0x33: {  	p0 =	seq.s32 s10, $0x1;
	s10 =	sld [smem:$0x3FB4];
	_ =	sdelay $0x3  }
0x34: {  	[smem:$0x3FB4] =	sst s10  }
0x35: {  	s10 =	sld [smem:$0x3FB3];
	_ =	sdelay $0x3  }
0x36: {  	p1 =	seq.s32 s10, $0x1;
	s10 =	sld [smem:$0x3FB4];
	_ =	sdelay $0x3  }
0x37: {  	[smem:$0x3FB4] =	sst s10  }
0x38: {  	s10 =	sld [smem:$0x3FB5]  }
0x39: {  	_ = 	snop;
	(pc) =	sbr.ind lr, $3  }
0x3a: {  	_ = 	snop  }
0x3b: {  	_ = 	snop  }
0x3c: {  	p2 =	seq.s32 s10, $0x1;
	s10 =	sld [smem:$0x3FB4]  }
0x3d: {  	_ =	shalt  }
0x3e: {  	_ =	shalt  }
0x3f: {  	_ =	shalt  }
0x40: {  	_ =	shalt  }
0x41: {  	_ =	shalt  }
0x42: {  	_ =	shalt  }
0x43: {  	_ =	shalt  }
0x44: {  	_ =	shalt  }
0x45: {  	_ =	shalt  }
0x46: {  	_ =	shalt  }
0x47: {  	_ =	shalt  }
0x48: {  	_ =	shalt  }
0x49: {  	_ =	shalt  }
0x4a: {  	_ =	shalt  }
0x4b: {  	_ =	shalt  }
0x4c: {  	_ =	shalt  }
0x4d: {  	_ =	shalt  }
0x4e: {  	_ =	shalt  }
0x4f: {  	_ =	shalt  }
0x50: {  	_ =	shalt  }
0x51: {  	_ =	shalt  }
0x52: {  	_ =	shalt  }
0x53: {  	_ =	shalt  }
0x54: {  	_ =	shalt  }
0x55: {  	_ =	shalt  }
0x56: {  	_ =	shalt  }
0x57: {  	_ =	shalt  }
0x58: {  	_ =	shalt  }
0x59: {  	_ =	shalt  }
0x5a: {  	_ =	shalt  }
0x5b: {  	_ =	shalt  }
0x5c: {  	_ =	shalt  }
0x5d: {  	_ =	shalt  }
0x5e: {  	_ =	shalt  }
0x5f: {  	_ =	shalt  }
0x60: {  	_ =	shalt  }
0x61: {  	_ =	shalt  }
0x62: {  	_ =	shalt  }
0x63: {  	_ =	shalt  }
0x64: {  	_ =	shalt  }
0x65: {  	_ =	shalt  }
0x66: {  	_ =	shalt  }
0x67: {  	_ =	shalt  }
0x68: {  	_ =	shalt  }
0x69: {  	_ =	shalt  }
0x6a: {  	_ =	shalt  }
0x6b: {  	_ =	shalt  }
0x6c: {  	_ =	shalt  }
0x6d: {  	_ =	shalt  }
0x6e: {  	_ =	shalt  }
0x6f: {  	_ =	shalt  }
0x70: {  	_ =	shalt  }
0x71: {  	_ =	shalt  }
0x72: {  	_ =	shalt  }
0x73: {  	_ =	shalt  }
0x74: {  	_ =	shalt  }
0x75: {  	_ =	shalt  }
0x76: {  	_ =	shalt  }
0x77: {  	_ =	shalt  }
0x78: {  	_ =	shalt  }
0x79: {  	_ =	shalt  }
0x7a: {  	_ =	shalt  }
0x7b: {  	_ =	shalt  }
0x7c: {  	_ =	shalt  }
0x7d: {  	_ =	shalt  }
0x7e: {  	_ =	shalt  }
0x7f: {  	_ =	shalt  }
0x80: {  	_ =	shalt  }
0x81: {  	_ =	shalt  }
0x82: {  	_ =	shalt  }
0x83: {  	_ =	shalt  }
0x84: {  	_ =	shalt  }
0x85: {  	_ =	shalt  }
0x86: {  	_ =	shalt  }
0x87: {  	_ =	shalt  }
.Lfunc_end0:
.L_simem_size_0:
called_computation_lowered:
.L_overlay_start_0:
0x88: {  	s2 =	sld [smem:$0x3FD9]  }
0x89: {  	s3 =	sld [smem:$0x3FFE];
	_ =	sdelay $0x1  }
0x8a: {  	s1 =	srdreg.scid  }
0x8b: {  	s0 =	sand.u32 $0x1, s1  }
0x8c: {  	s17 =	sshll.u32 s0, $0xA;
	s2 =	sadd.s32 s3, s2  }
0x8d: {  	s2 =	sadd.s32 s2, s17  }
0x8e: {  	[smem:$0x3FC0] =	sst s2  }
0x8f: {  	_ = 	snop  }
0x90: {  	s2 =	sld [smem:$0x3FD0];
	(tm) =	ssettm $0x1  }
0x91: {  	s18 =	sld [smem:$0x3FFB];
	_ =	sdelay $0x3  }
0x92: {  	_ =	strace s18  }
0x93: {  	s3 =	sld [smem:$0x3FFC];
	_ =	sdelay $0x3  }
0x94: {  	_ =	strace s3  }
0x95: {  	s3 =	sld [smem:$0x3FFD];
	_ =	sdelay $0x3  }
0x96: {  	_ =	strace s3  }
0x97: {  	_ =	strace $0x8FFFFFFF  }
0x98: {  	s19 =	sld [smem:$0x3FDB];
	_ =	sdelay $0x1  }
0x99: {  	s4 =	simm.s32 $_scs_section_size  }
0x9a: {  	s5 =	simm.s32 $_size__tile_overlayer_lowered;
	s6 =	simm.s32 $_tile_overlayer_lowered  }
0x9b: {  	s22 =	simm.s32 $0x1BFF;
	s21 =	sshll.u32 s6, $0x1;
	s3 =	sadd.s32 s4, s19  }
0x9c: {  	s7 =	simm.s32 $0x0;
	s20 =	sshll.u32 s5, $0x1;
	s5 =	sadd.s32 s21, s3  }
0x9d: {  	[timem:s7], [sflag:s22] =	dma.local [hbm:s5], s20  }
0x9e: {  	_ =	swait.ge [sflag:s22], s20  }
0x9f: {  	s4 =	ssub.s32 $0x0, s20;
	[sflag:s22] =	ssyncset.done $0x0  }
0xa0: {  	[sflag:s22] =	ssyncadd.s32 s4;
	_ =	sdelay $0x1  }
0xa1: {  	s23 =	simm.s32 $0x1B8B  }
0xa2: {  	_ =	swait.ge [sflag:s23], $0x1  }
0xa3: {  	[sflag:s23] =	ssyncset.done $0x0  }
0xa4: {  	s25 =	simm.s32 $0x1B8E;
	s24 =	sld [smem:$0x3FFE];
	[sflag:s23] =	ssyncadd.s32 $0xFFFFFFFF  }
0xa5: {  	s26 =	simm.s32 $execute0_lowered;
	[smem:$0x3FD2] =	sst s25  }
0xa6: {  	s5 =	sshll.u32 s26, $0x1;
	_ =	strace $0x80000046;
	[dreg:$0x1] =	wrdreg $0xFFFFFFFF  }
0xa7: {  	s28 =	simm.s32 $_size_execute0_lowered;
	s3 =	sadd.s32 s3, s5;
	[dreg:$0x0] =	wrdreg $0x0  }
0xa8: {  	s5 =	sshll.u32 s28, $0x1;
	[dreg:$0x2] =	wrdreg s3  }
0xa9: {  	[dreg:$0x3] =	wrdreg s5  }
0xaa: {  	[dreg:$0x4] =	wrdreg $0xC0  }
0xab: {  	_ =	task [dreg:s7], $0x5FFFF  }
0xac: {  	[dreg:$0x1] =	wrdreg $0xFFFFFFFF  }
0xad: {  	[dreg:$0x0] =	wrdreg $0x60  }
0xae: {  	[dreg:$0x2] =	wrdreg s24  }
0xaf: {  	[dreg:$0x3] =	wrdreg s2  }
0xb0: {  	[dreg:$0x4] =	wrdreg $0x8F800  }
0xb1: {  	[dreg:$0x5] =	wrdreg $0x1CF800  }
0xb2: {  	[dreg:$0x6] =	wrdreg $0x9  }
0xb3: {  	_ =	task.clear_ibuf [dreg:s7], $0x7FFFF;
	_ =	strace $0x90000046  }
0xb4: {  	s29 =	simm.s32 $0x9;
	_ =	strace $0x80000048  }
0xb5: {  	_ =	swait.ge [sflag:s29], $0x1  }
0xb6: {  	[sflag:s29] =	ssyncadd.s32 $0xFFFFFFFF  }
0xb7: {  	_ =	strace $0x90000048  }
0xb8: {  	_ =	sfence  }
0xb9: {  	s30 =	sld [smem:$0x0];
	_ =	sdelay $0x2  }
0xba: {  	s31 =	sshll.u32 s1, $0xD;
	s1 =	sshrl.u32 s1, $0x2  }
0xbb: {  	s3 =	sand.u32 $0x4000, s31;
	s1 =	sadd.s32 s1, s30  }
0xbc: {  	s0 =	sor.u32 s3, s0;
	s1 =	sshll.u32 s1, $0x11  }
0xbd: {  	s0 =	sor.u32 s1, s0  }
0xbe: {  	s0 =	sadd.s32 $0x8F2B, s0  }
0xbf: {  	[sflag:s0] =	ssyncadd.remote.s32 $0x1  }
0xc0: {  	_ =	sfence.sel $0xFFFF  }
0xc1: {  	[dreg:$0x0] =	wrdreg $0xFFFFFFFF;
	(pc) =	sbr.abs _section_cstart, $3  }
0xc2: {  	[dreg:$0x1] =	wrdreg $0xFFFFFFFF  }
0xc3: {  	_ =	task.clear_ibuf [dreg:s7], $0x2FFFF;
	_ =	strace $0x9FFFFFFF  }
0xc4: {  	(tm) =	ssettm $0x7FFFFFFF  }
0xc5: {  	_ =	shalt  }
tec
execute0_lowered:
.L_overlay_start_1:
0x0: {  	(tag) =	ssettag $0x1  }
0x1: {  	s0 =	rddreg [dreg:$0x0]  }
0x2: {  	s3 =	rddreg [dreg:$0x1]  }
0x3: {  	s1 =	rddreg [dreg:$0x2]  }
0x4: {  	s2 =	rddreg [dreg:$0x3]  }
0x5: {  	s4 =	simm.s32 $0x0;
	s17 =	stileid.u32;
	s6 =	srdreg.scid  }
0x6: {  	s29 =	simm.s32 $0x4F00;
	s30 =	simm.s32 $0x2;
	s31 =	simm.s32 $0x0  }
0x7: {  	[smem:$0x7FF] =	sst s4;
	s5 =	sadd.s32 $0x11A00, s0;
	s15 =	smul.u32 $0x14000, s17  }
0x8: {  	s9 =	sadd.s32 $0x2C00, s0;
	s11 =	smul.u32 $0x280, s17;
	s12 =	sand.u32 $0x1, s6  }
0x9: {  	s13 =	sadd.s32 $0x29200, s0;
	s26 =	smul.u32 $0x3C000, s17;
	_ =	strace $0x80000047  }
0xa: {  	s7 =	ssub.s32 $0x2, s12;
	s21 =	ssub.s32 $0x0, s12;
	p0 =	seq.s32 s12, $0x0  }
0xb: {  	s16 =	sshrl.u32 s15, $0x3;
	s18 =	sshrl.u32 s11, $0x3;
	s8 =	sshrl.u32 s7, $0x1  }
0xc: {  	s6 =	sadd.s32 s15, s1;
	s19 =	sadd.s32 $0x80, s11;
	s14 =	sadd.s32 $0x100, s11  }
0xd: {  	s15 =	smul.u32 $0x2780, s17;
	s21 =	sand.u32 $0x28, s21;
	s23 =	sadd.s32 s16, s0  }
0xe: {  	s0 =	sadd.s32 s18, s0;
	s24 =	ssub.s32 s7, s8;
	s7 =	sadd.s32 s11, s2  }
0xf: {  	s20 =	sshll.u32 s19, $0x7;
	s10 =	sshll.u32 s14, $0x7;
	s16 =	smul.u32 $0x27800, s12  }
0x10: {  	s4 =	sadd.s32 s19, s2;
	s22 =	sadd.s32 s14, s2;
	s18 =	sshll.u32 s12, $0x7  }
0x11: {  	s8 =	sadd.s32 s20, s1;
	[dreg:$0x5] =	wrdreg s4;
	s10 =	sadd.s32 s10, s1  }
0x12: {  	[dreg:$0x6] =	wrdreg s22;
	s4 =	sadd.s32 $0x180, s11;
	s20 =	sor.u32 s18, s26  }
0x13: {  	s11 =	sadd.s32 $0x200, s11;
	s23 =	sadd.s32 $0xA1800, s23;
	s25 =	sadd.s32 s15, s16  }
0x14: {  	s15 =	sshrl.u32 s15, $0x3;
	s22 =	sshll.u32 s4, $0x7;
	s17 =	sadd.s32 s4, s2  }
0x15: {  	s4 =	simm.s32 $0x1;
	s14 =	sshrl.u32 s25, $0x3;
	s3 =	sadd.s32 s3, s15  }
0x16: {  	s25 =	sshrl.u32 s26, $0x3;
	s26 =	sshll.u32 s11, $0x7;
	s16 =	sadd.s32 s22, s1  }
0x17: {  	[dreg:$0x7] =	wrdreg s3;
	s19 =	sadd.s32 s9, s14;
	s9 =	sadd.s32 s9, s15  }
0x18: {  	s3 =	sshrl.u32 s20, $0x3;
	s15 =	simm.s32 $0x28;
	s18 =	sadd.s32 s26, s1  }
0x19: {  	s20 =	sadd.s32 $0xA1200, s0;
	s26 =	smax.u32 s24, $0x1;
	s0 =	simm.s32 $0x80  }
0x1a: {  	[dreg:$0x8] =	wrdreg s19;
	s3 =	sadd.s32 s13, s3;
	s15 =	simm.s32 @!p0 $0x4F  }
0x1b: {  	p0 =	sne.s32 s12, $0x0;
	s19 =	sadd.s32 s11, s2;
	s22 =	sadd.s32 $0x9E00, s9  }
0x1c: {  	[dreg:$0x9] =	wrdreg s3;
	s3 =	sadd.s32 s25, s13;
	s13 =	sshll.u32 s21, $0x7  }
0x1d: {  	v0 =	vimm.f32 $0.0e+00;
	v1 =	vimm.f32 $1.000000000e+00;
	s25 =	sadd.s32 $0x20, s3;
	s28 =	sadd.s32 $0x2780, s13;
	s3 =	simm.s32 $0x8F00  }
.LBB2_1:
0x1e: {  	s9 =	simm.s32 $0x0;
	s11 =	simm.s32 $0x200  }
.LBB2_2:
0x1f: {  	p1 =	sne.s32 s11, $0xFE00;
	[tilespmem:s9+$0x4F70] =	vst v0  }
0x20: {  	[tilespmem:s9+$0x4F00] =	vst v0  }
0x21: {  	[tilespmem:s9+$0x4F10] =	vst v0  }
.Ltmp0:
0x22: {  	[tilespmem:s9+$0x4F20] =	vst v0;
	(pc) =	sbr.rel @p1 .LBB2_2-.Ltmp0, $4  }
0x23: {  	[tilespmem:s9+$0x4F30] =	vst v0  }
0x24: {  	[tilespmem:s9+$0x4F40] =	vst v0  }
0x25: {  	[tilespmem:s9+$0x4F50] =	vst v0  }
0x26: {  	[tilespmem:s9+$0x4F60] =	vst v0;
	s9 =	sshra.s32 s11, $0x2;
	s11 =	sadd.s32 $0x200, s11  }
0x27: {  	[tilespmem:s9+$0x4F70] =	vst v0  }
0x28: {  	[tilespmem:s9+$0x4F00] =	vst v0  }
0x29: {  	[tilespmem:s9+$0x4F10] =	vst v0  }
0x2a: {  	[tilespmem:s9+$0x4F20] =	vst v0  }
0x2b: {  	[tilespmem:s9+$0x4F30] =	vst v0  }
0x2c: {  	[tilespmem:s9+$0x4F40] =	vst v0  }
0x2d: {  	[tilespmem:s9+$0x4F50] =	vst v0  }
0x2e: {  	[tilespmem:s9+$0x4F60] =	vst v0  }
0x2f: {  	[tilespmem:$0x8F00] =	vst v1  }
0x30: {  	[tilespmem:$0x8F10] =	vst v1  }
0x31: {  	[tilespmem:$0x8F20] =	vst v1  }
0x32: {  	[tilespmem:$0x8F30] =	vst v1  }
0x33: {  	[tilespmem:$0x8F40] =	vst v1  }
0x34: {  	[tilespmem:$0x8F50] =	vst v1  }
0x35: {  	[tilespmem:$0x8F60] =	vst v1  }
0x36: {  	[tilespmem:$0x8F70] =	vst v1  }
0x37: {  	[spmem:s6] =	stream.linear.scatter [tilespmem:s29], [sflag:$0x2], $0x4000, $0x38;
	[tilespmem:$0x1D200] =	vst v63  }
0x38: {  	_ =	swait.ge [sflag:s30], $0x4000  }
0x39: {  	[sflag:s30] =	ssyncset.done $0x0  }
0x3a: {  	[sflag:s30] =	ssyncadd.s32 $0xFFFFC000  }
0x3b: {  	[spmem:s7] =	stream.linear.scatter [tilespmem:s29], [sflag:$0x2], $0x80, $0x38;
	[tilespmem:$0x1D200] =	vst v63  }
0x3c: {  	_ =	swait.ge [sflag:s30], $0x80  }
0x3d: {  	[sflag:s30] =	ssyncset.done $0x0  }
0x3e: {  	[sflag:s30] =	ssyncadd.s32 $0xFFFFFF80  }
0x3f: {  	[spmem:s8] =	stream.linear.scatter [tilespmem:s29], [sflag:$0x2], $0x4000, $0x38;
	[tilespmem:$0x1D200] =	vst v63  }
0x40: {  	_ =	swait.ge [sflag:s30], $0x4000  }
0x41: {  	[sflag:s30] =	ssyncset.done $0x0  }
0x42: {  	s12 =	rddreg [dreg:$0x5];
	[sflag:s30] =	ssyncadd.s32 $0xFFFFC000  }
0x43: {  	[spmem:s12] =	stream.linear.scatter [tilespmem:s29], [sflag:$0x2], $0x80, $0x38;
	[tilespmem:$0x1D200] =	vst v63  }
0x44: {  	_ =	swait.ge [sflag:s30], $0x80  }
0x45: {  	[sflag:s30] =	ssyncset.done $0x0  }
0x46: {  	[sflag:s30] =	ssyncadd.s32 $0xFFFFFF80  }
0x47: {  	[spmem:s10] =	stream.linear.scatter [tilespmem:s29], [sflag:$0x2], $0x4000, $0x38;
	[tilespmem:$0x1D200] =	vst v63  }
0x48: {  	_ =	swait.ge [sflag:s30], $0x4000  }
0x49: {  	[sflag:s30] =	ssyncset.done $0x0  }
0x4a: {  	s14 =	rddreg [dreg:$0x6];
	[sflag:s30] =	ssyncadd.s32 $0xFFFFC000  }
0x4b: {  	[spmem:s14] =	stream.linear.scatter [tilespmem:s29], [sflag:$0x2], $0x80, $0x38;
	[tilespmem:$0x1D200] =	vst v63  }
0x4c: {  	_ =	swait.ge [sflag:s30], $0x80  }
0x4d: {  	[sflag:s30] =	ssyncset.done $0x0  }
0x4e: {  	[sflag:s30] =	ssyncadd.s32 $0xFFFFFF80  }
0x4f: {  	[spmem:s16] =	stream.linear.scatter [tilespmem:s29], [sflag:$0x2], $0x4000, $0x38;
	[tilespmem:$0x1D200] =	vst v63  }
0x50: {  	_ =	swait.ge [sflag:s30], $0x4000  }
0x51: {  	[sflag:s30] =	ssyncset.done $0x0  }
0x52: {  	[sflag:s30] =	ssyncadd.s32 $0xFFFFC000  }
0x53: {  	[spmem:s17] =	stream.linear.scatter [tilespmem:s29], [sflag:$0x2], $0x80, $0x38;
	[tilespmem:$0x1D200] =	vst v63  }
0x54: {  	_ =	swait.ge [sflag:s30], $0x80  }
0x55: {  	[sflag:s30] =	ssyncset.done $0x0  }
0x56: {  	[sflag:s30] =	ssyncadd.s32 $0xFFFFFF80  }
0x57: {  	[spmem:s18] =	stream.linear.scatter [tilespmem:s29], [sflag:$0x2], $0x4000, $0x38;
	[tilespmem:$0x1D200] =	vst v63  }
0x58: {  	_ =	swait.ge [sflag:s30], $0x4000  }
0x59: {  	[sflag:s30] =	ssyncset.done $0x0  }
0x5a: {  	[sflag:s30] =	ssyncadd.s32 $0xFFFFC000  }
0x5b: {  	[spmem:s19] =	stream.linear.scatter [tilespmem:s29], [sflag:$0x2], $0x80, $0x38;
	[tilespmem:$0x1D200] =	vst v63  }
0x5c: {  	_ =	swait.ge [sflag:s30], $0x80  }
0x5d: {  	s24 =	simm.s32 $0x0;
	[sflag:s30] =	ssyncset.done $0x0  }
0x5e: {  	s12 =	simm.s32 $0x2780;
	s11 =	rddreg [dreg:$0x7];
	[sflag:s30] =	ssyncadd.s32 $0xFFFFFF80  }
0x5f: {  	[tilespmem:s12], [sflag:$0x2] =	stream.linear.gather [hbm4b:s11+s24], $0x2780, $0x38;
	[tilespmem:$0x1D200] =	vst v63  }
0x60: {  	_ =	swait.ge [sflag:s30], $0x2780  }
0x61: {  	[sflag:s30] =	ssyncset.done $0x0  }
0x62: {  	[sflag:s30] =	ssyncadd.s32 $0xFFFFD880  }
0x63: {  	[bflag:$0x0] =	sbarrier.arrive $0xFFFF  }
0x64: {  	s12 =	rddreg [dreg:$0x8]  }
0x65: {  	[tilespmem:s24], [sflag:$0x2] =	stream.linear.gather [hbm4b:s12+s24], $0x2780, $0x38;
	[tilespmem:$0x1D200] =	vst v63  }
0x66: {  	_ =	swait.ge [sflag:s30], $0x2780  }
0x67: {  	[sflag:s30] =	ssyncset.done $0x0  }
0x68: {  	s14 =	simm.s32 $0x0;
	[sflag:s30] =	ssyncadd.s32 $0xFFFFD880  }
0x69: {  	[tilespmem:s29], [sflag:$0x1] =	stream.indirect.gather [hbm4b:s5+s0], $0x80, s14, s0, $0xb8;
	[tilespmem:$0x1D200] =	vst v63  }
0x6a: {  	_ =	swait.ge [sflag:s4], $0x4000  }
0x6b: {  	[sflag:s4] =	ssyncset.done $0x0  }
0x6c: {  	s24 =	simm.s32 $0x2780;
	[sflag:s4] =	ssyncadd.s32 $0xFFFFC000  }
0x6d: {  	[spmem:s1] =	stream.indirect.scatter.add.f32 [tilespmem:s29], [sflag:$0x2], $0x80, s24, s0, $0xb8;
	[tilespmem:$0x1D200] =	vst v63  }
0x6e: {  	s9 =	simm.s32 $0x200;
	_ =	swait.ge [sflag:s30], $0x4000  }
0x6f: {  	s11 =	simm.s32 $0x200;
	s12 =	simm.s32 $0x400;
	[sflag:s30] =	ssyncset.done $0x0  }
.LBB2_4:
0x70: {  	s24 =	sshra.s32 s11, $0x2  }
0x71: {  	[sflag:s30] =	ssyncadd.s32 $0xFFFFC000;
	s11 =	smov.u32 s12;
	s14 =	sadd.s32 $0x200, s12  }
0x72: {  	[tilespmem:s29], [sflag:$0x1] =	stream.indirect.gather [hbm4b:s5+s0], $0x80, s24, s0, $0xb8;
	[tilespmem:$0x1D200] =	vst v63  }
0x73: {  	p1 =	sne.s32 s12, $0x9C00;
	_ =	swait.ge [sflag:s4], $0x4000  }
.Ltmp1:
0x74: {  	[sflag:s4] =	ssyncset.done $0x0;
	(pc) =	sbr.rel @p1 .LBB2_4-.Ltmp1, $4  }
0x75: {  	s12 =	sadd.s32 $0x2780, s24;
	[sflag:s4] =	ssyncadd.s32 $0xFFFFC000  }
0x76: {  	[spmem:s1] =	stream.indirect.scatter.add.f32 [tilespmem:s29], [sflag:$0x2], $0x80, s12, s0, $0xb8;
	[tilespmem:$0x1D200] =	vst v63  }
0x77: {  	_ =	swait.ge [sflag:s30], $0x4000  }
0x78: {  	s12 =	smov.u32 s14;
	[sflag:s30] =	ssyncset.done $0x0  }
0x79: {  	s11 =	sshra.s32 s11, $0x2;
	[sflag:s30] =	ssyncadd.s32 $0xFFFFC000  }
0x7a: {  	[tilespmem:s29], [sflag:$0x1] =	stream.indirect.gather [hbm4b:s5+s0], $0x80, s11, s0, $0xb8;
	[tilespmem:$0x1D200] =	vst v63  }
0x7b: {  	_ =	swait.ge [sflag:s4], $0x4000  }
0x7c: {  	[sflag:s4] =	ssyncset.done $0x0  }
0x7d: {  	s11 =	sadd.s32 $0x2780, s11;
	[sflag:s4] =	ssyncadd.s32 $0xFFFFC000  }
0x7e: {  	[spmem:s1] =	stream.indirect.scatter.add.f32 [tilespmem:s29], [sflag:$0x2], $0x80, s11, s0, $0xb8;
	[tilespmem:$0x1D200] =	vst v63  }
0x7f: {  	_ =	swait.ge [sflag:s30], $0x4000  }
0x80: {  	[sflag:s30] =	ssyncset.done $0x0  }
0x81: {  	s24 =	simm.s32 $0x2780;
	[sflag:s30] =	ssyncadd.s32 $0xFFFFC000  }
0x82: {  	[spmem:s2] =	stream.indirect.scatter.add.f32 [tilespmem:s3], [sflag:$0x2], $0x1, s24, s0, $0xb8;
	[tilespmem:$0x1D200] =	vst v63  }
0x83: {  	_ =	swait.ge [sflag:s30], $0x80  }
.LBB2_6:
0x84: {  	s11 =	sshra.s32 s9, $0x2;
	[sflag:s30] =	ssyncset.done $0x0;
	p1 =	sne.s32 s9, $0x9C00  }
.Ltmp2:
0x85: {  	s11 =	sadd.s32 $0x2780, s11;
	[sflag:s30] =	ssyncadd.s32 $0xFFFFFF80;
	(pc) =	sbr.rel @p1 .LBB2_6-.Ltmp2, $3  }
0x86: {  	[spmem:s2] =	stream.indirect.scatter.add.f32 [tilespmem:s3], [sflag:$0x2], $0x1, s11, s0, $0xb8;
	[tilespmem:$0x1D200] =	vst v63  }
0x87: {  	s9 =	sadd.s32 $0x200, s9;
	_ =	sdelay $0x1  }
0x88: {  	_ =	swait.ge [sflag:s30], $0x80  }
0x89: {  	[sflag:s30] =	ssyncset.done $0x0  }
0x8a: {  	s9 =	stileid.u32;
	s11 =	sshrl.u32 s6, $0x3;
	[sflag:s30] =	ssyncadd.s32 $0xFFFFFF80  }
0x8b: {  	s14 =	simm.s32 $0x30;
	s9 =	sshll.u32 s9, $0x6;
	[bflag:$0x0] =	sbarrier.arrive $0xFFFF  }
0x8c: {  	s24 =	simm.s32 $0x10;
	s9 =	sor.u32 $0x1C02, s9;
	s12 =	rddreg [dreg:$0x9]  }
0x8d: {  	[hbm:s12@s14], [sflag:s9] =	dma.strided [spmem:s11@s24], $0x2800, s4, $0x10   }
0x8e: {  	_ =	swait.ge [sflag:s30], $0x2800  }
0x8f: {  	[sflag:s30] =	ssyncset.done $0x0  }
0x90: {  	s11 =	sshrl.u32 @!p0 s7, $0x3;
	[sflag:s30] =	ssyncadd.s32 $0xFFFFD800  }
0x91: {  	[hbm:s20], [sflag:s9] =	dma.local @!p0 [spmem:s11], $0x50  }
0x92: {  	s11 =	simm.s32 @!p0 $0x2  }
0x93: {  	_ =	swait.ge @!p0 [sflag:s11], $0x50  }
0x94: {  	[sflag:s11] =	ssyncset.done @!p0 $0x0  }
0x95: {  	[sflag:s11] =	ssyncadd.s32 @!p0 $0xFFFFFFB0  }
0x96: {  	s12 =	simm.s32 $0x200;
	s11 =	simm.s32 $0x0;
	[bflag:$0x0] =	sbarrier.arrive $0xFFFF  }
.LBB2_8:
0x97: {  	p1 =	sne.s32 s12, $0xFE00;
	[tilespmem:s11+$0x4F70] =	vst v0  }
0x98: {  	[tilespmem:s11+$0x4F00] =	vst v0  }
0x99: {  	[tilespmem:s11+$0x4F10] =	vst v0  }
.Ltmp3:
0x9a: {  	[tilespmem:s11+$0x4F20] =	vst v0;
	(pc) =	sbr.rel @p1 .LBB2_8-.Ltmp3, $4  }
0x9b: {  	[tilespmem:s11+$0x4F30] =	vst v0  }
0x9c: {  	[tilespmem:s11+$0x4F40] =	vst v0  }
0x9d: {  	[tilespmem:s11+$0x4F50] =	vst v0  }
0x9e: {  	[tilespmem:s11+$0x4F60] =	vst v0;
	s11 =	sshra.s32 s12, $0x2;
	s12 =	sadd.s32 $0x200, s12  }
0x9f: {  	[tilespmem:s11+$0x4F70] =	vst v0  }
0xa0: {  	[tilespmem:s11+$0x4F00] =	vst v0  }
0xa1: {  	[tilespmem:s11+$0x4F10] =	vst v0  }
0xa2: {  	[tilespmem:s11+$0x4F20] =	vst v0  }
0xa3: {  	[tilespmem:s11+$0x4F30] =	vst v0  }
0xa4: {  	[tilespmem:s11+$0x4F40] =	vst v0  }
0xa5: {  	[tilespmem:s11+$0x4F50] =	vst v0  }
0xa6: {  	[tilespmem:s11+$0x4F60] =	vst v0  }
0xa7: {  	[spmem:s6] =	stream.linear.scatter [tilespmem:s29], [sflag:$0x2], $0x4000, $0x38;
	[tilespmem:$0x1D200] =	vst v63  }
0xa8: {  	_ =	swait.ge [sflag:s30], $0x4000  }
0xa9: {  	[sflag:s30] =	ssyncset.done $0x0  }
0xaa: {  	[sflag:s30] =	ssyncadd.s32 $0xFFFFC000  }
0xab: {  	[spmem:s8] =	stream.linear.scatter [tilespmem:s29], [sflag:$0x2], $0x4000, $0x38;
	[tilespmem:$0x1D200] =	vst v63  }
0xac: {  	_ =	swait.ge [sflag:s30], $0x4000  }
0xad: {  	[sflag:s30] =	ssyncset.done $0x0  }
0xae: {  	[sflag:s30] =	ssyncadd.s32 $0xFFFFC000  }
0xaf: {  	[spmem:s10] =	stream.linear.scatter [tilespmem:s29], [sflag:$0x2], $0x4000, $0x38;
	[tilespmem:$0x1D200] =	vst v63  }
0xb0: {  	_ =	swait.ge [sflag:s30], $0x4000  }
0xb1: {  	[sflag:s30] =	ssyncset.done $0x0  }
0xb2: {  	[sflag:s30] =	ssyncadd.s32 $0xFFFFC000  }
0xb3: {  	[spmem:s16] =	stream.linear.scatter [tilespmem:s29], [sflag:$0x2], $0x4000, $0x38;
	[tilespmem:$0x1D200] =	vst v63  }
0xb4: {  	_ =	swait.ge [sflag:s30], $0x4000  }
0xb5: {  	[sflag:s30] =	ssyncset.done $0x0  }
0xb6: {  	[sflag:s30] =	ssyncadd.s32 $0xFFFFC000  }
0xb7: {  	[spmem:s18] =	stream.linear.scatter [tilespmem:s29], [sflag:$0x2], $0x4000, $0x38;
	[tilespmem:$0x1D200] =	vst v63  }
0xb8: {  	_ =	swait.ge [sflag:s30], $0x4000  }
0xb9: {  	[sflag:s30] =	ssyncset.done $0x0  }
0xba: {  	s24 =	simm.s32 $0x0;
	[sflag:s30] =	ssyncadd.s32 $0xFFFFC000  }
0xbb: {  	[tilespmem:s24], [sflag:$0x2] =	stream.linear.gather [hbm4b:s22+s24], $0x2780, $0x38;
	[tilespmem:$0x1D200] =	vst v63  }
0xbc: {  	_ =	swait.ge [sflag:s30], $0x2780  }
0xbd: {  	[sflag:s30] =	ssyncset.done $0x0  }
0xbe: {  	[sflag:s30] =	ssyncadd.s32 $0xFFFFD880  }
0xbf: {  	s11 =	sadd.s32 $0x1, s21;
	[bflag:$0x0] =	sbarrier.arrive $0xFFFF  }
0xc0: {  	[tilespmem:s29], [sflag:$0x1] =	stream.indirect.gather [hbm4b:s5+s0], $0x80, s13, s0, $0xb8;
	[tilespmem:$0x1D200] =	vst v63  }
0xc1: {  	p1 =	slt.u32 s11, s15;
	_ =	swait.ge [sflag:s4], $0x4000  }
.Ltmp4:
0xc2: {  	[sflag:s4] =	ssyncset.done $0x0;
	(pc) =	sbr.rel @!p1 .LBB2_11-.Ltmp4, $4  }
0xc3: {  	[sflag:s4] =	ssyncadd.s32 $0xFFFFC000  }
0xc4: {  	[spmem:s1] =	stream.indirect.scatter.add.f32 [tilespmem:s29], [sflag:$0x2], $0x80, s28, s0, $0xb8;
	[tilespmem:$0x1D200] =	vst v63  }
0xc5: {  	_ =	swait.ge [sflag:s30], $0x4000  }
0xc6: {  	s12 =	sadd.s32 $0x80, s28;
	s24 =	smov.u32 s13;
	[sflag:s30] =	ssyncset.done $0x0  }
.LBB2_10:
0xc7: {  	s11 =	sadd.s32 $0x1, s11;
	[sflag:s30] =	ssyncadd.s32 $0xFFFFC000;
	s24 =	sadd.s32 $0x80, s24  }
0xc8: {  	[tilespmem:s29], [sflag:$0x1] =	stream.indirect.gather [hbm4b:s5+s0], $0x80, s24, s0, $0xb8;
	[tilespmem:$0x1D200] =	vst v63  }
0xc9: {  	p1 =	slt.u32 s11, s15;
	_ =	swait.ge [sflag:s4], $0x4000  }
.Ltmp5:
0xca: {  	[sflag:s4] =	ssyncset.done $0x0;
	(pc) =	sbr.rel @p1 .LBB2_10-.Ltmp5, $4  }
0xcb: {  	[sflag:s4] =	ssyncadd.s32 $0xFFFFC000  }
0xcc: {  	[spmem:s1] =	stream.indirect.scatter.add.f32 [tilespmem:s29], [sflag:$0x2], $0x80, s12, s0, $0xb8;
	[tilespmem:$0x1D200] =	vst v63  }
0xcd: {  	_ =	swait.ge [sflag:s30], $0x4000  }
0xce: {  	s12 =	sadd.s32 $0x80, s12;
	[sflag:s30] =	ssyncset.done $0x0  }
.LBB2_11:
0xcf: {  	[sflag:s30] =	ssyncadd.s32 $0xFFFFC000  }
0xd0: {  	s11 =	sshrl.u32 @p0 s6, $0x3;
	s12 =	simm.s32 @!p0 $0x1;
	s31 =	sadd.s32 $0x1, s31  }
0xd1: {  	s14 =	simm.s32 @!p0 $0x30;
	[bflag:$0x0] =	sbarrier.arrive $0xFFFF;
	p1 =	sne.s32 s31, s26  }
0xd2: {  	[hbm:s23], [sflag:s9] =	dma.local @p0 [spmem:s11], $0x2800  }
.Ltmp6:
0xd3: {  	s24 =	simm.s32 @!p0 $0x10;
	s11 =	sshrl.u32 @!p0 s6, $0x3;
	(pc) =	sbr.rel @p1 .LBB2_1-.Ltmp6, $4  }
0xd4: {  	[hbm:s25@s14], [sflag:s9] =	dma.strided @!p0 [spmem:s11@s24], $0x2800, s12, $0x10   }
0xd5: {  	_ =	swait.ge [sflag:s30], $0x2800  }
0xd6: {  	[sflag:s30] =	ssyncset.done $0x0  }
0xd7: {  	[sflag:s30] =	ssyncadd.s32 $0xFFFFD800  }
0xd8: {  	_ =	sfence.sel $0x180000  }
0xd9: {  	[bflag:$0x0] =	sbarrier.arrive $0xFFFF  }
0xda: {  	_ =	strace $0x90000047  }
0xdb: {  	s0 =	stileid.u32;
	[bflag:$0x2] =	sbarrier.arrive $0xFFFF  }
0xdc: {  	p0 =	sne.s32 s0, $0x0;
	s0 =	rddreg [dreg:$0x4]  }
0xdd: {  	s0 =	sadd.s32 @!p0 $0x100000, s0  }
0xde: {  	[sflag:s0] =	ssyncadd.tile.s32 @!p0 $0x1;
	_ =	shalt  }
.Lfunc_end2:
_tile_overlayer_lowered:
.L_overlay_start_2:
0xdf: {  	(tag) =	ssettag $0x2  }
0xe0: {  	s0 =	rddreg [dreg:$0x0];
	s2 =	stileid.u32  }
0xe1: {  	s1 =	rddreg [dreg:$0x1];
	p0 =	sne.s32 s2, $0x0  }
0xe2: {  	s3 =	rddreg [dreg:$0x2];
	[bflag:$0x3] =	sbarrier.arrive $0xFFFF;
	s2 =	simm.s32 @!p0 $0x1C02  }
0xe3: {  	[timem:s3], [sflag:s2] =	dma.local @!p0 [hbm:s0], s1  }
0xe4: {  	s0 =	simm.s32 @!p0 $0x2  }
0xe5: {  	_ =	swait.ge @!p0 [sflag:s0], s1  }
0xe6: {  	s1 =	ssub.s32 @!p0 $0x0, s1;
	[sflag:s0] =	ssyncset.done @!p0 $0x0  }
0xe7: {  	[sflag:s0] =	ssyncadd.s32 @!p0 s1  }
0xe8: {  	[bflag:$0x3] =	sbarrier.arrive $0xFFFF  }
0xe9: {  	_ =	shalt  }

</sc_bundles>
